<compile_context>
chip_gen: v7x
topology: tpu7x:2x2x1
jax: 0.10.2.dev20260603
libtpu: 0.0.44.dev20260713+nightly
codegen_flags: <defaults>
</compile_context>

<pallas_src>
import functools

import jax
import jax.numpy as jnp
from jax import lax
from jax.experimental import pallas as pl
from jax.experimental.pallas import tpu as pltpu
from jax.experimental.pallas import tpu_sc as plsc

_ROWS = 160
_LANES = 128
_N2P = _ROWS * _LANES
_NCOMP = 9
_FG_THRESH = 0.5


def _tc_body(K, gt_ref, x1_ref, y1_ref, x2_ref, y2_ref, pay_ref, dest_ref):
    x1 = x1_ref[0]
    y1 = y1_ref[0]
    x2 = x2_ref[0]
    y2 = y2_ref[0]
    aw = x2 - x1 + 1.0
    ah = y2 - y1 + 1.0
    an_area = aw * ah
    an_zero = (aw == 1.0) & (ah == 1.0)

    best = None
    for k in range(K):
        gx1 = gt_ref[0, k, 0]
        gy1 = gt_ref[0, k, 1]
        gx2 = gt_ref[0, k, 2]
        gy2 = gt_ref[0, k, 3]
        glab = gt_ref[0, k, 4]
        gw = gx2 - gx1 + 1.0
        gh = gy2 - gy1 + 1.0
        garea = gw * gh
        gzero = (gw == 1.0) & (gh == 1.0)
        iw = jnp.maximum(jnp.minimum(x2, gx2) - jnp.maximum(x1, gx1) + 1.0, 0.0)
        ih = jnp.maximum(jnp.minimum(y2, gy2) - jnp.maximum(y1, gy1) + 1.0, 0.0)
        inter = iw * ih
        ov = inter / (an_area + garea - inter)
        ov = jnp.where(gzero, 0.0, ov)
        if k == 0:
            best = ov
            blab = jnp.zeros_like(ov) + glab
            bx1 = jnp.zeros_like(ov) + gx1
            by1 = jnp.zeros_like(ov) + gy1
            bx2 = jnp.zeros_like(ov) + gx2
            by2 = jnp.zeros_like(ov) + gy2
        else:
            upd = ov > best
            best = jnp.where(upd, ov, best)
            blab = jnp.where(upd, glab, blab)
            bx1 = jnp.where(upd, gx1, bx1)
            by1 = jnp.where(upd, gy1, by1)
            bx2 = jnp.where(upd, gx2, bx2)
            by2 = jnp.where(upd, gy2, by2)

    best = jnp.where(an_zero, -1.0, best)
    fg = best >= _FG_THRESH
    label = jnp.where(fg, blab, 0.0)

    ecx = x1 + 0.5 * aw
    ecy = y1 + 0.5 * ah
    gw_v = bx2 - bx1 + 1.0
    gh_v = by2 - by1 + 1.0
    gcx = bx1 + 0.5 * gw_v
    gcy = by1 + 0.5 * gh_v
    t0 = ((gcx - ecx) / aw) / 0.1
    t1 = ((gcy - ecy) / ah) / 0.1
    t2 = jnp.log(gw_v / aw) / 0.2
    t3 = jnp.log(gh_v / ah) / 0.2
    pos = label > 0.0
    zero = jnp.zeros_like(best)

    pay_ref[0, 0] = x1
    pay_ref[0, 1] = y1
    pay_ref[0, 2] = x2
    pay_ref[0, 3] = y2
    pay_ref[0, 4] = label
    pay_ref[0, 5] = jnp.where(pos, t0, zero)
    pay_ref[0, 6] = jnp.where(pos, t1, zero)
    pay_ref[0, 7] = jnp.where(pos, t2, zero)
    pay_ref[0, 8] = jnp.where(pos, t3, zero)

    fgf = fg.astype(jnp.float32)
    r0 = lax.broadcasted_iota(jnp.int32, (_LANES, _LANES), 0)
    c0 = lax.broadcasted_iota(jnp.int32, (_LANES, _LANES), 1)
    upper = (r0 <= c0).astype(jnp.float32)
    incl = jnp.dot(fgf, upper, preferred_element_type=jnp.float32)
    rowsum = incl[:, _LANES - 1 :]
    rr = lax.broadcasted_iota(jnp.int32, (_ROWS, _ROWS), 0)
    cc = lax.broadcasted_iota(jnp.int32, (_ROWS, _ROWS), 1)
    strict_lower = (cc < rr).astype(jnp.float32)
    offs = jnp.dot(strict_lower, rowsum, preferred_element_type=jnp.float32)
    pf_excl = incl + offs - fgf
    nfg = jnp.sum(fgf)
    lin = (
        lax.broadcasted_iota(jnp.int32, (_ROWS, _LANES), 0) * _LANES
        + lax.broadcasted_iota(jnp.int32, (_ROWS, _LANES), 1)
    ).astype(jnp.float32)
    destf = jnp.where(fg, pf_excl, nfg + lin - pf_excl)
    dest_ref[0] = destf.astype(jnp.int32)


_UNROLL = 8


def _scatter_all(nchunk, dest_v, in_v, out_v):
    def body(i, carry):
        off = i * (16 * _UNROLL)
        for u in range(_UNROLL):
            d = dest_v[pl.ds(off + u * 16, 16)]
            v = in_v[pl.ds(off + u * 16, 16)]
            plsc.store_scatter(out_v, [d], v)
        return carry

    lax.fori_loop(0, nchunk // _UNROLL, body, 0)


def _sc_body(
    B,
    nchunk,
    pay_hbm,
    dest_hbm,
    out_hbm,
    dest_v,
    in0_v,
    in1_v,
    out0_v,
    out1_v,
    sem0,
    sem1,
    sem2,
):
    info = plsc.get_sparse_core_info()
    nworker = info.num_cores * info.num_subcores
    wid = lax.axis_index("s") * info.num_cores + lax.axis_index("c")
    wpb = nworker // B
    b = wid // wpb
    lane = wid % wpb
    c0 = lane
    c1 = lane + wpb
    has2 = c1 < _NCOMP
    cp_d = pltpu.async_copy(dest_hbm.at[b], dest_v, sem2)
    cp0 = pltpu.async_copy(pay_hbm.at[b, c0], in0_v, sem0)

    @pl.when(has2)
    def _():
        pltpu.async_copy(pay_hbm.at[b, c1], in1_v, sem1)

    cp_d.wait()
    cp0.wait()
    _scatter_all(nchunk, dest_v, in0_v, out0_v)
    out_cp0 = pltpu.async_copy(out0_v, out_hbm.at[b, c0], sem0)

    @pl.when(has2)
    def _():
        pltpu.make_async_copy(pay_hbm.at[b, c1], in1_v, sem1).wait()
        _scatter_all(nchunk, dest_v, in1_v, out1_v)
        pltpu.sync_copy(out1_v, out_hbm.at[b, c1])

    out_cp0.wait()


def kernel(all_rois, gt_boxes):
    B, N, _ = all_rois.shape
    K = gt_boxes.shape[1]
    N2 = N + K
    pad = _N2P - N2
    z = jnp.zeros((B, pad), dtype=jnp.float32)
    x1 = jnp.concatenate([all_rois[:, :, 1], gt_boxes[:, :, 0], z], axis=1)
    y1 = jnp.concatenate([all_rois[:, :, 2], gt_boxes[:, :, 1], z], axis=1)
    x2 = jnp.concatenate([all_rois[:, :, 3], gt_boxes[:, :, 2], z], axis=1)
    y2 = jnp.concatenate([all_rois[:, :, 4], gt_boxes[:, :, 3], z], axis=1)
    shape3 = (B, _ROWS, _LANES)
    x1, y1, x2, y2 = (a.reshape(shape3) for a in (x1, y1, x2, y2))

    pay, dest = pl.pallas_call(
        functools.partial(_tc_body, K),
        grid=(B,),
        in_specs=[
            pl.BlockSpec((1, K, 5), lambda b: (b, 0, 0), memory_space=pltpu.SMEM),
            pl.BlockSpec((1, _ROWS, _LANES), lambda b: (b, 0, 0)),
            pl.BlockSpec((1, _ROWS, _LANES), lambda b: (b, 0, 0)),
            pl.BlockSpec((1, _ROWS, _LANES), lambda b: (b, 0, 0)),
            pl.BlockSpec((1, _ROWS, _LANES), lambda b: (b, 0, 0)),
        ],
        out_specs=[
            pl.BlockSpec((1, _NCOMP, _ROWS, _LANES), lambda b: (b, 0, 0, 0)),
            pl.BlockSpec((1, _ROWS, _LANES), lambda b: (b, 0, 0)),
        ],
        out_shape=[
            jax.ShapeDtypeStruct((B, _NCOMP, _ROWS, _LANES), jnp.float32),
            jax.ShapeDtypeStruct((B, _ROWS, _LANES), jnp.int32),
        ],
    )(gt_boxes, x1, y1, x2, y2)

    pay = pay.reshape(B, _NCOMP, _N2P)
    dest = dest.reshape(B, _N2P)

    mesh = plsc.VectorSubcoreMesh(core_axis_name="c", subcore_axis_name="s")
    out = pl.kernel(
        functools.partial(_sc_body, B, _N2P // 16),
        out_type=jax.ShapeDtypeStruct((B, _NCOMP, _N2P), jnp.float32),
        mesh=mesh,
        compiler_params=pltpu.CompilerParams(
            use_tc_tiling_on_sc=False, needs_layout_passes=False
        ),
        scratch_types=[
            pltpu.VMEM((_N2P,), jnp.int32),
            pltpu.VMEM((_N2P,), jnp.float32),
            pltpu.VMEM((_N2P,), jnp.float32),
            pltpu.VMEM((_N2P,), jnp.float32),
            pltpu.VMEM((_N2P,), jnp.float32),
            pltpu.SemaphoreType.DMA,
            pltpu.SemaphoreType.DMA,
            pltpu.SemaphoreType.DMA,
        ],
    )(pay, dest)

    o = out[:, :, :N2]
    labels_batch = o[:, 4]
    bcol = jnp.broadcast_to(
        jnp.arange(B, dtype=jnp.float32)[:, None, None], (B, N2, 1)
    )
    rois_batch = jnp.concatenate([bcol, jnp.moveaxis(o[:, 0:4], 1, 2)], axis=2)
    bbox_targets = jnp.moveaxis(o[:, 5:9], 1, 2)
    pos4 = jnp.broadcast_to((labels_batch > 0)[:, :, None], (B, N2, 4))
    bbox_inside_weights = pos4.astype(jnp.float32)
    bbox_outside_weights = pos4.astype(jnp.float32)
    return (
        rois_batch,
        labels_batch,
        bbox_targets,
        bbox_inside_weights,
        bbox_outside_weights,
    )

# --- scband reference (transcript-rebuilt; emitter-appended) ---
"""Pipeline reference for scband-proposal-target-layer-63007170232552 (READ-ONLY COPY).

The authoritative reference and input builder live on the scoring server;
editing this copy changes nothing except your own understanding.
"""

import jax, jax.numpy as jnp
import numpy as np

NCLASSES = 21
MEANS = jnp.array([0.0, 0.0, 0.0, 0.0], dtype=jnp.float32)
STDS = jnp.array([0.1, 0.1, 0.2, 0.2], dtype=jnp.float32)
BIW = jnp.array([1.0, 1.0, 1.0, 1.0], dtype=jnp.float32)
FG_THRESH = 0.5


def _make_boxes(key, B, N, scale, wmax):
    k1, k2, k3, k4 = jax.random.split(key, 4)
    x1 = jax.random.uniform(k1, (B, N)) * scale
    y1 = jax.random.uniform(k2, (B, N)) * scale
    w = 1.0 + jax.random.uniform(k3, (B, N)) * wmax
    h = 1.0 + jax.random.uniform(k4, (B, N)) * wmax
    return x1, y1, x1 + w, y1 + h


def setup_inputs(seed: int = 0):
    key = jax.random.key(seed)
    B, N, K = 4, 20000, 20
    ka, kb, kc = jax.random.split(key, 3)
    x1, y1, x2, y2 = _make_boxes(ka, B, N, 600.0, 200.0)
    all_rois = jnp.stack([jnp.zeros((B, N)), x1, y1, x2, y2], axis=2).astype(jnp.float32)
    gx1, gy1, gx2, gy2 = _make_boxes(kb, B, K, 500.0, 250.0)
    glab = jax.random.randint(kc, (B, K), 1, NCLASSES).astype(jnp.float32)
    gt_boxes = jnp.stack([gx1, gy1, gx2, gy2, glab], axis=2).astype(jnp.float32)
    valid = (jnp.arange(K) < K - 4).astype(jnp.float32)
    gt_boxes = gt_boxes * valid[None, :, None]
    return {"all_rois": all_rois, "gt_boxes": gt_boxes}


def bbox_overlaps_batch(rois5, gt):
    boxes = rois5[:, :, 1:5]
    gtb = gt[:, :, :4]
    gw = gtb[:, :, 2] - gtb[:, :, 0] + 1.0
    gh = gtb[:, :, 3] - gtb[:, :, 1] + 1.0
    gt_area = (gw * gh)[:, None, :]
    aw = boxes[:, :, 2] - boxes[:, :, 0] + 1.0
    ah = boxes[:, :, 3] - boxes[:, :, 1] + 1.0
    an_area = (aw * ah)[:, :, None]
    gt_zero = ((gw == 1.0) & (gh == 1.0))[:, None, :]
    an_zero = ((aw == 1.0) & (ah == 1.0))[:, :, None]
    iw = jnp.clip(jnp.minimum(boxes[:, :, None, 2], gtb[:, None, :, 2]) - jnp.maximum(boxes[:, :, None, 0], gtb[:, None, :, 0]) + 1.0, 0.0)
    ih = jnp.clip(jnp.minimum(boxes[:, :, None, 3], gtb[:, None, :, 3]) - jnp.maximum(boxes[:, :, None, 1], gtb[:, None, :, 1]) + 1.0, 0.0)
    inter = iw * ih
    ua = an_area + gt_area - inter
    ov = inter / ua
    ov = jnp.where(gt_zero, 0.0, ov)
    ov = jnp.where(an_zero, -1.0, ov)
    return ov


def bbox_transform_batch(ex, gt):
    ew = ex[:, :, 2] - ex[:, :, 0] + 1.0
    eh = ex[:, :, 3] - ex[:, :, 1] + 1.0
    ecx = ex[:, :, 0] + 0.5 * ew
    ecy = ex[:, :, 1] + 0.5 * eh
    gw = gt[:, :, 2] - gt[:, :, 0] + 1.0
    gh = gt[:, :, 3] - gt[:, :, 1] + 1.0
    gcx = gt[:, :, 0] + 0.5 * gw
    gcy = gt[:, :, 1] + 0.5 * gh
    return jnp.stack([(gcx - ecx) / ew, (gcy - ecy) / eh, jnp.log(gw / ew), jnp.log(gh / eh)], axis=2)


def _forward(all_rois, gt_boxes):
    B = all_rois.shape[0]
    gt_append = jnp.zeros_like(gt_boxes).at[:, :, 1:5].set(gt_boxes[:, :, :4])
    rois = jnp.concatenate([all_rois, gt_append], axis=1)
    ov = bbox_overlaps_batch(rois, gt_boxes)
    max_ov = jnp.max(ov, axis=2)
    gt_assign = jnp.argmax(ov, axis=2)
    labels = jnp.take_along_axis(gt_boxes[:, :, 4], gt_assign, axis=1)
    fg = max_ov >= FG_THRESH
    # stable argsort: fg rois first (in index order), then bg rois -- replicates
    # torch.cat([nonzero(fg), nonzero(bg)]) of the focal-loss sampling path
    order = jnp.argsort(jnp.where(fg, 0, 1).astype(jnp.int32), axis=1)
    labels_batch = jnp.take_along_axis(jnp.where(fg, labels, 0.0), order, axis=1)
    rois_batch = jnp.take_along_axis(rois, order[:, :, None], axis=1)
    rois_batch = rois_batch.at[:, :, 0].set(jnp.broadcast_to(jnp.arange(B, dtype=rois.dtype)[:, None], labels_batch.shape))
    ga_kept = jnp.take_along_axis(gt_assign, order, axis=1)
    gt_rois = jnp.take_along_axis(gt_boxes, ga_kept[:, :, None], axis=1)
    targets = bbox_transform_batch(rois_batch[:, :, 1:5], gt_rois[:, :, :4])
    targets = (targets - MEANS[None, None, :]) / STDS[None, None, :]
    pos = (labels_batch > 0)[:, :, None]
    bbox_targets = jnp.where(pos, targets, 0.0)
    bbox_inside_weights = jnp.where(pos, BIW[None, None, :], 0.0)
    bbox_outside_weights = (bbox_inside_weights > 0).astype(jnp.float32)
    return rois_batch, labels_batch, bbox_targets, bbox_inside_weights, bbox_outside_weights


def reference(all_rois, gt_boxes):
    return _forward(all_rois, gt_boxes)

if __name__ == "__main__":
    import jax
    _d = setup_inputs()
    print(jax.jit(kernel)(*tuple(_d.values())))

</pallas_src>

<mosaic_0001>
#map = affine_map<(d0, d1) -> (0, 0, 0)>
#map1 = affine_map<(d0, d1) -> (0, 0)>
module attributes {stable_mosaic.version = 14 : i64} {
  func.func @_sc_body(%arg0: i32, %arg1: i32, %arg2: memref<4x9x20480xf32, #tpu.memory_space<hbm>>, %arg3: memref<4x20480xi32, #tpu.memory_space<hbm>>, %arg4: memref<4x9x20480xf32, #tpu.memory_space<hbm>>, %arg5: memref<20480xi32, #tpu.memory_space<vmem>>, %arg6: memref<20480xf32, #tpu.memory_space<vmem>>, %arg7: memref<20480xf32, #tpu.memory_space<vmem>>, %arg8: memref<20480xf32, #tpu.memory_space<vmem>>, %arg9: memref<20480xf32, #tpu.memory_space<vmem>>, %arg10: memref<!tpu.dma_semaphore, #tpu.memory_space<semaphore_mem>>, %arg11: memref<!tpu.dma_semaphore, #tpu.memory_space<semaphore_mem>>, %arg12: memref<!tpu.dma_semaphore, #tpu.memory_space<semaphore_mem>>) attributes {dimension_semantics = [#tpu.dimension_semantics<core_parallel>, #tpu.dimension_semantics<subcore_parallel>], iteration_bounds = array<i64: 2, 16>, scalar_prefetch = 0 : i64, scratch_operands = 8 : i64, tpu.core_type = #tpu.core_type<sc_vector_subcore>, window_params = [{transform_indices = #map}, {transform_indices = #map1}, {transform_indices = #map}]} {
    %mul3A = arith.constant 2 : i32
    %mul3A_0 = arith.muli %arg1, %mul3A : i32
    %add3A = arith.addi %mul3A_0, %arg0 : i32
    %jit3A = arith.constant 8 : i32
    %div3A = arith.divsi %add3A, %jit3A : i32
    %sign3A = arith.constant 0 : i32
    %sign3A_1 = arith.cmpi sgt, %add3A, %sign3A : i32
    %sign3A_2 = arith.extui %sign3A_1 : i1 to i32
    %sign3A_3 = arith.constant 0 : i32
    %sign3A_4 = arith.cmpi slt, %add3A, %sign3A_3 : i32
    %sign3A_5 = arith.extui %sign3A_4 : i1 to i32
    %sign3A_6 = arith.subi %sign3A_2, %sign3A_5 : i32
    %sign3A_7 = arith.constant 0 : i32
    %sign3A_8 = arith.cmpi sgt, %jit3A, %sign3A_7 : i32
    %sign3A_9 = arith.extui %sign3A_8 : i1 to i32
    %sign3A_10 = arith.constant 0 : i32
    %sign3A_11 = arith.cmpi slt, %jit3A, %sign3A_10 : i32
    %sign3A_12 = arith.extui %sign3A_11 : i1 to i32
    %sign3A_13 = arith.subi %sign3A_9, %sign3A_12 : i32
    %ne3A = arith.cmpi ne, %sign3A_6, %sign3A_13 : i32
    %rem3A = arith.remsi %add3A, %jit3A : i32
    %ne3A_14 = arith.constant 0 : i32
    %ne3A_15 = arith.cmpi ne, %rem3A, %ne3A_14 : i32
    %and3A = arith.andi %ne3A, %ne3A_15 : i1
    %sub3A = arith.constant 1 : i32
    %sub3A_16 = arith.subi %div3A, %sub3A : i32
    %select_n3A = arith.select %and3A, %sub3A_16, %div3A : i32
    %jit3A_17 = arith.constant 8 : i32
    %eq3A = arith.constant 0 : i32
    %eq3A_18 = arith.cmpi eq, %jit3A_17, %eq3A : i32
    %jit3A_19 = arith.constant 1 : i32
    %select_n3A_20 = arith.select %eq3A_18, %jit3A_19, %jit3A_17 : i32
    %rem3A_21 = arith.remsi %add3A, %select_n3A_20 : i32
    %ne3A_22 = arith.constant 0 : i32
    %ne3A_23 = arith.cmpi ne, %rem3A_21, %ne3A_22 : i32
    %lt3A = arith.constant 0 : i32
    %lt3A_24 = arith.cmpi slt, %rem3A_21, %lt3A : i32
    %lt3A_25 = arith.constant 0 : i32
    %lt3A_26 = arith.cmpi slt, %select_n3A_20, %lt3A_25 : i32
    %ne3A_27 = arith.xori %lt3A_24, %lt3A_26 : i1
    %and3A_28 = arith.andi %ne3A_27, %ne3A_23 : i1
    %add3A_29 = arith.addi %rem3A_21, %select_n3A_20 : i32
    %select_n3A_30 = arith.select %and3A_28, %add3A_29, %rem3A_21 : i32
    %add3A_31 = arith.constant 8 : i32
    %add3A_32 = arith.addi %select_n3A_30, %add3A_31 : i32
    %lt3A_33 = arith.constant 9 : i32
    %lt3A_34 = arith.cmpi slt, %add3A_32, %lt3A_33 : i32
    %dma_start3A = arith.constant 0 : i32
    %dma_start3A_35 = tpu.memref_slice %arg3[%select_n3A, %dma_start3A] : memref<4x20480xi32, #tpu.memory_space<hbm>> -> memref<1x20480xi32, #tpu.memory_space<hbm>>
    %dma_start3A_36 = tpu.memref_squeeze %dma_start3A_35 : memref<1x20480xi32, #tpu.memory_space<hbm>> -> memref<20480xi32, #tpu.memory_space<hbm>>
    %dma_start3A_37 = arith.constant 0 : i32
    %dma_start3A_38 = tpu.memref_slice %arg3[%select_n3A, %dma_start3A_37] : memref<4x20480xi32, #tpu.memory_space<hbm>> -> memref<1x20480xi32, #tpu.memory_space<hbm>>
    %dma_start3A_39 = tpu.memref_squeeze %dma_start3A_38 : memref<1x20480xi32, #tpu.memory_space<hbm>> -> memref<20480xi32, #tpu.memory_space<hbm>>
    tpu.enqueue_dma source(%dma_start3A_39 : memref<20480xi32, #tpu.memory_space<hbm>>) target(%arg5 : memref<20480xi32, #tpu.memory_space<vmem>>) target_semaphore(%arg12 : memref<!tpu.dma_semaphore, #tpu.memory_space<semaphore_mem>>)
    %dma_start3A_40 = arith.constant 0 : i32
    %dma_start3A_41 = tpu.memref_slice %arg2[%select_n3A, %select_n3A_30, %dma_start3A_40] : memref<4x9x20480xf32, #tpu.memory_space<hbm>> -> memref<1x1x20480xf32, #tpu.memory_space<hbm>>
    %dma_start3A_42 = tpu.memref_squeeze %dma_start3A_41 : memref<1x1x20480xf32, #tpu.memory_space<hbm>> -> memref<20480xf32, #tpu.memory_space<hbm>>
    %dma_start3A_43 = arith.constant 0 : i32
    %dma_start3A_44 = tpu.memref_slice %arg2[%select_n3A, %select_n3A_30, %dma_start3A_43] : memref<4x9x20480xf32, #tpu.memory_space<hbm>> -> memref<1x1x20480xf32, #tpu.memory_space<hbm>>
    %dma_start3A_45 = tpu.memref_squeeze %dma_start3A_44 : memref<1x1x20480xf32, #tpu.memory_space<hbm>> -> memref<20480xf32, #tpu.memory_space<hbm>>
    tpu.enqueue_dma source(%dma_start3A_45 : memref<20480xf32, #tpu.memory_space<hbm>>) target(%arg6 : memref<20480xf32, #tpu.memory_space<vmem>>) target_semaphore(%arg10 : memref<!tpu.dma_semaphore, #tpu.memory_space<semaphore_mem>>)
    %convert_element_type3A = arith.extui %lt3A_34 : i1 to i32
    %cond3A = arith.constant 0 : i32
    %cond3A_46 = arith.cmpi ne, %convert_element_type3A, %cond3A : i32
    scf.if %cond3A_46 {
      %dma_start3A_78 = arith.constant 0 : i32
      %dma_start3A_79 = tpu.memref_slice %arg2[%select_n3A, %add3A_32, %dma_start3A_78] : memref<4x9x20480xf32, #tpu.memory_space<hbm>> -> memref<1x1x20480xf32, #tpu.memory_space<hbm>>
      %dma_start3A_80 = tpu.memref_squeeze %dma_start3A_79 : memref<1x1x20480xf32, #tpu.memory_space<hbm>> -> memref<20480xf32, #tpu.memory_space<hbm>>
      %dma_start3A_81 = arith.constant 0 : i32
      %dma_start3A_82 = tpu.memref_slice %arg2[%select_n3A, %add3A_32, %dma_start3A_81] : memref<4x9x20480xf32, #tpu.memory_space<hbm>> -> memref<1x1x20480xf32, #tpu.memory_space<hbm>>
      %dma_start3A_83 = tpu.memref_squeeze %dma_start3A_82 : memref<1x1x20480xf32, #tpu.memory_space<hbm>> -> memref<20480xf32, #tpu.memory_space<hbm>>
      tpu.enqueue_dma source(%dma_start3A_83 : memref<20480xf32, #tpu.memory_space<hbm>>) target(%arg7 : memref<20480xf32, #tpu.memory_space<vmem>>) target_semaphore(%arg11 : memref<!tpu.dma_semaphore, #tpu.memory_space<semaphore_mem>>)
    } else {
    }
    %dma_wait3A = arith.constant 0 : i32
    %dma_wait3A_47 = tpu.memref_slice %arg3[%select_n3A, %dma_wait3A] : memref<4x20480xi32, #tpu.memory_space<hbm>> -> memref<1x20480xi32, #tpu.memory_space<hbm>>
    %dma_wait3A_48 = tpu.memref_squeeze %dma_wait3A_47 : memref<1x20480xi32, #tpu.memory_space<hbm>> -> memref<20480xi32, #tpu.memory_space<hbm>>
    %dma_wait3A_49 = arith.constant 0 : i32
    %dma_wait3A_50 = tpu.memref_slice %arg3[%select_n3A, %dma_wait3A_49] : memref<4x20480xi32, #tpu.memory_space<hbm>> -> memref<1x20480xi32, #tpu.memory_space<hbm>>
    %dma_wait3A_51 = tpu.memref_squeeze %dma_wait3A_50 : memref<1x20480xi32, #tpu.memory_space<hbm>> -> memref<20480xi32, #tpu.memory_space<hbm>>
    tpu.wait_dma2 semaphore(%arg12 : memref<!tpu.dma_semaphore, #tpu.memory_space<semaphore_mem>>) src(%dma_wait3A_51 : memref<20480xi32, #tpu.memory_space<hbm>>) dst(%arg5 : memref<20480xi32, #tpu.memory_space<vmem>>)
    %dma_wait3A_52 = arith.constant 0 : i32
    %dma_wait3A_53 = tpu.memref_slice %arg2[%select_n3A, %select_n3A_30, %dma_wait3A_52] : memref<4x9x20480xf32, #tpu.memory_space<hbm>> -> memref<1x1x20480xf32, #tpu.memory_space<hbm>>
    %dma_wait3A_54 = tpu.memref_squeeze %dma_wait3A_53 : memref<1x1x20480xf32, #tpu.memory_space<hbm>> -> memref<20480xf32, #tpu.memory_space<hbm>>
    %dma_wait3A_55 = arith.constant 0 : i32
    %dma_wait3A_56 = tpu.memref_slice %arg2[%select_n3A, %select_n3A_30, %dma_wait3A_55] : memref<4x9x20480xf32, #tpu.memory_space<hbm>> -> memref<1x1x20480xf32, #tpu.memory_space<hbm>>
    %dma_wait3A_57 = tpu.memref_squeeze %dma_wait3A_56 : memref<1x1x20480xf32, #tpu.memory_space<hbm>> -> memref<20480xf32, #tpu.memory_space<hbm>>
    tpu.wait_dma2 semaphore(%arg10 : memref<!tpu.dma_semaphore, #tpu.memory_space<semaphore_mem>>) src(%dma_wait3A_57 : memref<20480xf32, #tpu.memory_space<hbm>>) dst(%arg6 : memref<20480xf32, #tpu.memory_space<vmem>>)
    %scan3A = arith.constant 0 : i32
    %scan3A_58 = arith.constant 0 : i32
    %scan3A_59 = arith.constant 160 : i32
    %scan3A_60 = arith.addi %scan3A_58, %scan3A_59 : i32
    %scan3A_61 = arith.constant 1 : i32
    scf.for %scan3A_78 = %scan3A_58 to %scan3A_60 step %scan3A_61  : i32 {
      %mul3A_79 = arith.constant 128 : i32
      %mul3A_80 = arith.muli %scan3A_78, %mul3A_79 : i32
      %add3A_81 = arith.constant 0 : i32
      %add3A_82 = arith.addi %mul3A_80, %add3A_81 : i32
      %get3A = arith.index_cast %add3A_82 : i32 to index
      %get3A_83 = tpu.vector_load %arg5[%get3A] {strides = array<i32>} : memref<20480xi32, #tpu.memory_space<vmem>>, vector<16xi32>,
      %add3A_84 = arith.constant 0 : i32
      %add3A_85 = arith.addi %mul3A_80, %add3A_84 : i32
      %get3A_86 = arith.index_cast %add3A_85 : i32 to index
      %get3A_87 = tpu.vector_load %arg6[%get3A_86] {strides = array<i32>} : memref<20480xf32, #tpu.memory_space<vmem>>, vector<16xf32>,
      tpu.vector_store_idx %arg8[%get3A_83], %get3A_87 : memref<20480xf32, #tpu.memory_space<vmem>>[vector<16xi32>], vector<16xf32>,
      %add3A_88 = arith.constant 16 : i32
      %add3A_89 = arith.addi %mul3A_80, %add3A_88 : i32
      %get3A_90 = arith.index_cast %add3A_89 : i32 to index
      %get3A_91 = tpu.vector_load %arg5[%get3A_90] {strides = array<i32>} : memref<20480xi32, #tpu.memory_space<vmem>>, vector<16xi32>,
      %add3A_92 = arith.constant 16 : i32
      %add3A_93 = arith.addi %mul3A_80, %add3A_92 : i32
      %get3A_94 = arith.index_cast %add3A_93 : i32 to index
      %get3A_95 = tpu.vector_load %arg6[%get3A_94] {strides = array<i32>} : memref<20480xf32, #tpu.memory_space<vmem>>, vector<16xf32>,
      tpu.vector_store_idx %arg8[%get3A_91], %get3A_95 : memref<20480xf32, #tpu.memory_space<vmem>>[vector<16xi32>], vector<16xf32>,
      %add3A_96 = arith.constant 32 : i32
      %add3A_97 = arith.addi %mul3A_80, %add3A_96 : i32
      %get3A_98 = arith.index_cast %add3A_97 : i32 to index
      %get3A_99 = tpu.vector_load %arg5[%get3A_98] {strides = array<i32>} : memref<20480xi32, #tpu.memory_space<vmem>>, vector<16xi32>,
      %add3A_100 = arith.constant 32 : i32
      %add3A_101 = arith.addi %mul3A_80, %add3A_100 : i32
      %get3A_102 = arith.index_cast %add3A_101 : i32 to index
      %get3A_103 = tpu.vector_load %arg6[%get3A_102] {strides = array<i32>} : memref<20480xf32, #tpu.memory_space<vmem>>, vector<16xf32>,
      tpu.vector_store_idx %arg8[%get3A_99], %get3A_103 : memref<20480xf32, #tpu.memory_space<vmem>>[vector<16xi32>], vector<16xf32>,
      %add3A_104 = arith.constant 48 : i32
      %add3A_105 = arith.addi %mul3A_80, %add3A_104 : i32
      %get3A_106 = arith.index_cast %add3A_105 : i32 to index
      %get3A_107 = tpu.vector_load %arg5[%get3A_106] {strides = array<i32>} : memref<20480xi32, #tpu.memory_space<vmem>>, vector<16xi32>,
      %add3A_108 = arith.constant 48 : i32
      %add3A_109 = arith.addi %mul3A_80, %add3A_108 : i32
      %get3A_110 = arith.index_cast %add3A_109 : i32 to index
      %get3A_111 = tpu.vector_load %arg6[%get3A_110] {strides = array<i32>} : memref<20480xf32, #tpu.memory_space<vmem>>, vector<16xf32>,
      tpu.vector_store_idx %arg8[%get3A_107], %get3A_111 : memref<20480xf32, #tpu.memory_space<vmem>>[vector<16xi32>], vector<16xf32>,
      %add3A_112 = arith.constant 64 : i32
      %add3A_113 = arith.addi %mul3A_80, %add3A_112 : i32
      %get3A_114 = arith.index_cast %add3A_113 : i32 to index
      %get3A_115 = tpu.vector_load %arg5[%get3A_114] {strides = array<i32>} : memref<20480xi32, #tpu.memory_space<vmem>>, vector<16xi32>,
      %add3A_116 = arith.constant 64 : i32
      %add3A_117 = arith.addi %mul3A_80, %add3A_116 : i32
      %get3A_118 = arith.index_cast %add3A_117 : i32 to index
      %get3A_119 = tpu.vector_load %arg6[%get3A_118] {strides = array<i32>} : memref<20480xf32, #tpu.memory_space<vmem>>, vector<16xf32>,
      tpu.vector_store_idx %arg8[%get3A_115], %get3A_119 : memref<20480xf32, #tpu.memory_space<vmem>>[vector<16xi32>], vector<16xf32>,
      %add3A_120 = arith.constant 80 : i32
      %add3A_121 = arith.addi %mul3A_80, %add3A_120 : i32
      %get3A_122 = arith.index_cast %add3A_121 : i32 to index
      %get3A_123 = tpu.vector_load %arg5[%get3A_122] {strides = array<i32>} : memref<20480xi32, #tpu.memory_space<vmem>>, vector<16xi32>,
      %add3A_124 = arith.constant 80 : i32
      %add3A_125 = arith.addi %mul3A_80, %add3A_124 : i32
      %get3A_126 = arith.index_cast %add3A_125 : i32 to index
      %get3A_127 = tpu.vector_load %arg6[%get3A_126] {strides = array<i32>} : memref<20480xf32, #tpu.memory_space<vmem>>, vector<16xf32>,
      tpu.vector_store_idx %arg8[%get3A_123], %get3A_127 : memref<20480xf32, #tpu.memory_space<vmem>>[vector<16xi32>], vector<16xf32>,
      %add3A_128 = arith.constant 96 : i32
      %add3A_129 = arith.addi %mul3A_80, %add3A_128 : i32
      %get3A_130 = arith.index_cast %add3A_129 : i32 to index
      %get3A_131 = tpu.vector_load %arg5[%get3A_130] {strides = array<i32>} : memref<20480xi32, #tpu.memory_space<vmem>>, vector<16xi32>,
      %add3A_132 = arith.constant 96 : i32
      %add3A_133 = arith.addi %mul3A_80, %add3A_132 : i32
      %get3A_134 = arith.index_cast %add3A_133 : i32 to index
      %get3A_135 = tpu.vector_load %arg6[%get3A_134] {strides = array<i32>} : memref<20480xf32, #tpu.memory_space<vmem>>, vector<16xf32>,
      tpu.vector_store_idx %arg8[%get3A_131], %get3A_135 : memref<20480xf32, #tpu.memory_space<vmem>>[vector<16xi32>], vector<16xf32>,
      %add3A_136 = arith.constant 112 : i32
      %add3A_137 = arith.addi %mul3A_80, %add3A_136 : i32
      %get3A_138 = arith.index_cast %add3A_137 : i32 to index
      %get3A_139 = tpu.vector_load %arg5[%get3A_138] {strides = array<i32>} : memref<20480xi32, #tpu.memory_space<vmem>>, vector<16xi32>,
      %add3A_140 = arith.constant 112 : i32
      %add3A_141 = arith.addi %mul3A_80, %add3A_140 : i32
      %get3A_142 = arith.index_cast %add3A_141 : i32 to index
      %get3A_143 = tpu.vector_load %arg6[%get3A_142] {strides = array<i32>} : memref<20480xf32, #tpu.memory_space<vmem>>, vector<16xf32>,
      tpu.vector_store_idx %arg8[%get3A_139], %get3A_143 : memref<20480xf32, #tpu.memory_space<vmem>>[vector<16xi32>], vector<16xf32>,
    }
    %scan3A_62 = arith.constant 160 : i32
    %dma_start3A_63 = arith.constant 0 : i32
    %dma_start3A_64 = tpu.memref_slice %arg4[%select_n3A, %select_n3A_30, %dma_start3A_63] : memref<4x9x20480xf32, #tpu.memory_space<hbm>> -> memref<1x1x20480xf32, #tpu.memory_space<hbm>>
    %dma_start3A_65 = tpu.memref_squeeze %dma_start3A_64 : memref<1x1x20480xf32, #tpu.memory_space<hbm>> -> memref<20480xf32, #tpu.memory_space<hbm>>
    %dma_start3A_66 = arith.constant 0 : i32
    %dma_start3A_67 = tpu.memref_slice %arg4[%select_n3A, %select_n3A_30, %dma_start3A_66] : memref<4x9x20480xf32, #tpu.memory_space<hbm>> -> memref<1x1x20480xf32, #tpu.memory_space<hbm>>
    %dma_start3A_68 = tpu.memref_squeeze %dma_start3A_67 : memref<1x1x20480xf32, #tpu.memory_space<hbm>> -> memref<20480xf32, #tpu.memory_space<hbm>>
    tpu.enqueue_dma source(%arg8 : memref<20480xf32, #tpu.memory_space<vmem>>) target(%dma_start3A_68 : memref<20480xf32, #tpu.memory_space<hbm>>) target_semaphore(%arg10 : memref<!tpu.dma_semaphore, #tpu.memory_space<semaphore_mem>>)
    %convert_element_type3A_69 = arith.extui %lt3A_34 : i1 to i32
    %cond3A_70 = arith.constant 0 : i32
    %cond3A_71 = arith.cmpi ne, %convert_element_type3A_69, %cond3A_70 : i32
    scf.if %cond3A_71 {
      %dma_wait3A_78 = arith.constant 0 : i32
      %dma_wait3A_79 = tpu.memref_slice %arg2[%select_n3A, %add3A_32, %dma_wait3A_78] : memref<4x9x20480xf32, #tpu.memory_space<hbm>> -> memref<1x1x20480xf32, #tpu.memory_space<hbm>>
      %dma_wait3A_80 = tpu.memref_squeeze %dma_wait3A_79 : memref<1x1x20480xf32, #tpu.memory_space<hbm>> -> memref<20480xf32, #tpu.memory_space<hbm>>
      %dma_wait3A_81 = arith.constant 0 : i32
      %dma_wait3A_82 = tpu.memref_slice %arg2[%select_n3A, %add3A_32, %dma_wait3A_81] : memref<4x9x20480xf32, #tpu.memory_space<hbm>> -> memref<1x1x20480xf32, #tpu.memory_space<hbm>>
      %dma_wait3A_83 = tpu.memref_squeeze %dma_wait3A_82 : memref<1x1x20480xf32, #tpu.memory_space<hbm>> -> memref<20480xf32, #tpu.memory_space<hbm>>
      tpu.wait_dma2 semaphore(%arg11 : memref<!tpu.dma_semaphore, #tpu.memory_space<semaphore_mem>>) src(%dma_wait3A_83 : memref<20480xf32, #tpu.memory_space<hbm>>) dst(%arg7 : memref<20480xf32, #tpu.memory_space<vmem>>)
      %scan3A_84 = arith.constant 0 : i32
      %scan3A_85 = arith.constant 0 : i32
      %scan3A_86 = arith.constant 160 : i32
      %scan3A_87 = arith.addi %scan3A_85, %scan3A_86 : i32
      %scan3A_88 = arith.constant 1 : i32
      scf.for %scan3A_90 = %scan3A_85 to %scan3A_87 step %scan3A_88  : i32 {
        %mul3A_91 = arith.constant 128 : i32
        %mul3A_92 = arith.muli %scan3A_90, %mul3A_91 : i32
        %add3A_93 = arith.constant 0 : i32
        %add3A_94 = arith.addi %mul3A_92, %add3A_93 : i32
        %get3A = arith.index_cast %add3A_94 : i32 to index
        %get3A_95 = tpu.vector_load %arg5[%get3A] {strides = array<i32>} : memref<20480xi32, #tpu.memory_space<vmem>>, vector<16xi32>,
        %add3A_96 = arith.constant 0 : i32
        %add3A_97 = arith.addi %mul3A_92, %add3A_96 : i32
        %get3A_98 = arith.index_cast %add3A_97 : i32 to index
        %get3A_99 = tpu.vector_load %arg7[%get3A_98] {strides = array<i32>} : memref<20480xf32, #tpu.memory_space<vmem>>, vector<16xf32>,
        tpu.vector_store_idx %arg9[%get3A_95], %get3A_99 : memref<20480xf32, #tpu.memory_space<vmem>>[vector<16xi32>], vector<16xf32>,
        %add3A_100 = arith.constant 16 : i32
        %add3A_101 = arith.addi %mul3A_92, %add3A_100 : i32
        %get3A_102 = arith.index_cast %add3A_101 : i32 to index
        %get3A_103 = tpu.vector_load %arg5[%get3A_102] {strides = array<i32>} : memref<20480xi32, #tpu.memory_space<vmem>>, vector<16xi32>,
        %add3A_104 = arith.constant 16 : i32
        %add3A_105 = arith.addi %mul3A_92, %add3A_104 : i32
        %get3A_106 = arith.index_cast %add3A_105 : i32 to index
        %get3A_107 = tpu.vector_load %arg7[%get3A_106] {strides = array<i32>} : memref<20480xf32, #tpu.memory_space<vmem>>, vector<16xf32>,
        tpu.vector_store_idx %arg9[%get3A_103], %get3A_107 : memref<20480xf32, #tpu.memory_space<vmem>>[vector<16xi32>], vector<16xf32>,
        %add3A_108 = arith.constant 32 : i32
        %add3A_109 = arith.addi %mul3A_92, %add3A_108 : i32
        %get3A_110 = arith.index_cast %add3A_109 : i32 to index
        %get3A_111 = tpu.vector_load %arg5[%get3A_110] {strides = array<i32>} : memref<20480xi32, #tpu.memory_space<vmem>>, vector<16xi32>,
        %add3A_112 = arith.constant 32 : i32
        %add3A_113 = arith.addi %mul3A_92, %add3A_112 : i32
        %get3A_114 = arith.index_cast %add3A_113 : i32 to index
        %get3A_115 = tpu.vector_load %arg7[%get3A_114] {strides = array<i32>} : memref<20480xf32, #tpu.memory_space<vmem>>, vector<16xf32>,
        tpu.vector_store_idx %arg9[%get3A_111], %get3A_115 : memref<20480xf32, #tpu.memory_space<vmem>>[vector<16xi32>], vector<16xf32>,
        %add3A_116 = arith.constant 48 : i32
        %add3A_117 = arith.addi %mul3A_92, %add3A_116 : i32
        %get3A_118 = arith.index_cast %add3A_117 : i32 to index
        %get3A_119 = tpu.vector_load %arg5[%get3A_118] {strides = array<i32>} : memref<20480xi32, #tpu.memory_space<vmem>>, vector<16xi32>,
        %add3A_120 = arith.constant 48 : i32
        %add3A_121 = arith.addi %mul3A_92, %add3A_120 : i32
        %get3A_122 = arith.index_cast %add3A_121 : i32 to index
        %get3A_123 = tpu.vector_load %arg7[%get3A_122] {strides = array<i32>} : memref<20480xf32, #tpu.memory_space<vmem>>, vector<16xf32>,
        tpu.vector_store_idx %arg9[%get3A_119], %get3A_123 : memref<20480xf32, #tpu.memory_space<vmem>>[vector<16xi32>], vector<16xf32>,
        %add3A_124 = arith.constant 64 : i32
        %add3A_125 = arith.addi %mul3A_92, %add3A_124 : i32
        %get3A_126 = arith.index_cast %add3A_125 : i32 to index
        %get3A_127 = tpu.vector_load %arg5[%get3A_126] {strides = array<i32>} : memref<20480xi32, #tpu.memory_space<vmem>>, vector<16xi32>,
        %add3A_128 = arith.constant 64 : i32
        %add3A_129 = arith.addi %mul3A_92, %add3A_128 : i32
        %get3A_130 = arith.index_cast %add3A_129 : i32 to index
        %get3A_131 = tpu.vector_load %arg7[%get3A_130] {strides = array<i32>} : memref<20480xf32, #tpu.memory_space<vmem>>, vector<16xf32>,
        tpu.vector_store_idx %arg9[%get3A_127], %get3A_131 : memref<20480xf32, #tpu.memory_space<vmem>>[vector<16xi32>], vector<16xf32>,
        %add3A_132 = arith.constant 80 : i32
        %add3A_133 = arith.addi %mul3A_92, %add3A_132 : i32
        %get3A_134 = arith.index_cast %add3A_133 : i32 to index
        %get3A_135 = tpu.vector_load %arg5[%get3A_134] {strides = array<i32>} : memref<20480xi32, #tpu.memory_space<vmem>>, vector<16xi32>,
        %add3A_136 = arith.constant 80 : i32
        %add3A_137 = arith.addi %mul3A_92, %add3A_136 : i32
        %get3A_138 = arith.index_cast %add3A_137 : i32 to index
        %get3A_139 = tpu.vector_load %arg7[%get3A_138] {strides = array<i32>} : memref<20480xf32, #tpu.memory_space<vmem>>, vector<16xf32>,
        tpu.vector_store_idx %arg9[%get3A_135], %get3A_139 : memref<20480xf32, #tpu.memory_space<vmem>>[vector<16xi32>], vector<16xf32>,
        %add3A_140 = arith.constant 96 : i32
        %add3A_141 = arith.addi %mul3A_92, %add3A_140 : i32
        %get3A_142 = arith.index_cast %add3A_141 : i32 to index
        %get3A_143 = tpu.vector_load %arg5[%get3A_142] {strides = array<i32>} : memref<20480xi32, #tpu.memory_space<vmem>>, vector<16xi32>,
        %add3A_144 = arith.constant 96 : i32
        %add3A_145 = arith.addi %mul3A_92, %add3A_144 : i32
        %get3A_146 = arith.index_cast %add3A_145 : i32 to index
        %get3A_147 = tpu.vector_load %arg7[%get3A_146] {strides = array<i32>} : memref<20480xf32, #tpu.memory_space<vmem>>, vector<16xf32>,
        tpu.vector_store_idx %arg9[%get3A_143], %get3A_147 : memref<20480xf32, #tpu.memory_space<vmem>>[vector<16xi32>], vector<16xf32>,
        %add3A_148 = arith.constant 112 : i32
        %add3A_149 = arith.addi %mul3A_92, %add3A_148 : i32
        %get3A_150 = arith.index_cast %add3A_149 : i32 to index
        %get3A_151 = tpu.vector_load %arg5[%get3A_150] {strides = array<i32>} : memref<20480xi32, #tpu.memory_space<vmem>>, vector<16xi32>,
        %add3A_152 = arith.constant 112 : i32
        %add3A_153 = arith.addi %mul3A_92, %add3A_152 : i32
        %get3A_154 = arith.index_cast %add3A_153 : i32 to index
        %get3A_155 = tpu.vector_load %arg7[%get3A_154] {strides = array<i32>} : memref<20480xf32, #tpu.memory_space<vmem>>, vector<16xf32>,
        tpu.vector_store_idx %arg9[%get3A_151], %get3A_155 : memref<20480xf32, #tpu.memory_space<vmem>>[vector<16xi32>], vector<16xf32>,
      }
      %scan3A_89 = arith.constant 160 : i32
      "tpu.region"() ({
        %run_scoped3A = tpu.sem_alloc : memref<!tpu.dma_semaphore, #tpu.memory_space<semaphore_mem>>
        %dma_start3A_90 = arith.constant 0 : i32
        %dma_start3A_91 = tpu.memref_slice %arg4[%select_n3A, %add3A_32, %dma_start3A_90] : memref<4x9x20480xf32, #tpu.memory_space<hbm>> -> memref<1x1x20480xf32, #tpu.memory_space<hbm>>
        %dma_start3A_92 = tpu.memref_squeeze %dma_start3A_91 : memref<1x1x20480xf32, #tpu.memory_space<hbm>> -> memref<20480xf32, #tpu.memory_space<hbm>>
        %dma_start3A_93 = arith.constant 0 : i32
        %dma_start3A_94 = tpu.memref_slice %arg4[%select_n3A, %add3A_32, %dma_start3A_93] : memref<4x9x20480xf32, #tpu.memory_space<hbm>> -> memref<1x1x20480xf32, #tpu.memory_space<hbm>>
        %dma_start3A_95 = tpu.memref_squeeze %dma_start3A_94 : memref<1x1x20480xf32, #tpu.memory_space<hbm>> -> memref<20480xf32, #tpu.memory_space<hbm>>
        tpu.enqueue_dma source(%arg9 : memref<20480xf32, #tpu.memory_space<vmem>>) target(%dma_start3A_95 : memref<20480xf32, #tpu.memory_space<hbm>>) target_semaphore(%run_scoped3A : memref<!tpu.dma_semaphore, #tpu.memory_space<semaphore_mem>>)
        %dma_wait3A_96 = arith.constant 0 : i32
        %dma_wait3A_97 = tpu.memref_slice %arg4[%select_n3A, %add3A_32, %dma_wait3A_96] : memref<4x9x20480xf32, #tpu.memory_space<hbm>> -> memref<1x1x20480xf32, #tpu.memory_space<hbm>>
        %dma_wait3A_98 = tpu.memref_squeeze %dma_wait3A_97 : memref<1x1x20480xf32, #tpu.memory_space<hbm>> -> memref<20480xf32, #tpu.memory_space<hbm>>
        %dma_wait3A_99 = arith.constant 0 : i32
        %dma_wait3A_100 = tpu.memref_slice %arg4[%select_n3A, %add3A_32, %dma_wait3A_99] : memref<4x9x20480xf32, #tpu.memory_space<hbm>> -> memref<1x1x20480xf32, #tpu.memory_space<hbm>>
        %dma_wait3A_101 = tpu.memref_squeeze %dma_wait3A_100 : memref<1x1x20480xf32, #tpu.memory_space<hbm>> -> memref<20480xf32, #tpu.memory_space<hbm>>
        tpu.wait_dma2 semaphore(%run_scoped3A : memref<!tpu.dma_semaphore, #tpu.memory_space<semaphore_mem>>) src(%arg9 : memref<20480xf32, #tpu.memory_space<vmem>>) dst(%dma_wait3A_101 : memref<20480xf32, #tpu.memory_space<hbm>>)
        tpu.yield
      }) : () -> ()
    } else {
    }
    %dma_wait3A_72 = arith.constant 0 : i32
    %dma_wait3A_73 = tpu.memref_slice %arg4[%select_n3A, %select_n3A_30, %dma_wait3A_72] : memref<4x9x20480xf32, #tpu.memory_space<hbm>> -> memref<1x1x20480xf32, #tpu.memory_space<hbm>>
    %dma_wait3A_74 = tpu.memref_squeeze %dma_wait3A_73 : memref<1x1x20480xf32, #tpu.memory_space<hbm>> -> memref<20480xf32, #tpu.memory_space<hbm>>
    %dma_wait3A_75 = arith.constant 0 : i32
    %dma_wait3A_76 = tpu.memref_slice %arg4[%select_n3A, %select_n3A_30, %dma_wait3A_75] : memref<4x9x20480xf32, #tpu.memory_space<hbm>> -> memref<1x1x20480xf32, #tpu.memory_space<hbm>>
    %dma_wait3A_77 = tpu.memref_squeeze %dma_wait3A_76 : memref<1x1x20480xf32, #tpu.memory_space<hbm>> -> memref<20480xf32, #tpu.memory_space<hbm>>
    tpu.wait_dma2 semaphore(%arg10 : memref<!tpu.dma_semaphore, #tpu.memory_space<semaphore_mem>>) src(%arg8 : memref<20480xf32, #tpu.memory_space<vmem>>) dst(%dma_wait3A_77 : memref<20480xf32, #tpu.memory_space<hbm>>)
    return
  }
}

module attributes {stable_mosaic.version = 14 : i64} {
  func.func @_tc_body(%arg0: i32, %arg1: memref<1x20x5xf32, #tpu.memory_space<smem>>, %arg2: memref<1x160x128xf32, #tpu.memory_space<vmem>>, %arg3: memref<1x160x128xf32, #tpu.memory_space<vmem>>, %arg4: memref<1x160x128xf32, #tpu.memory_space<vmem>>, %arg5: memref<1x160x128xf32, #tpu.memory_space<vmem>>, %arg6: memref<1x9x160x128xf32, #tpu.memory_space<vmem>>, %arg7: memref<1x160x128xi32, #tpu.memory_space<vmem>>) attributes {dimension_semantics = [#tpu.dimension_semantics<arbitrary>], iteration_bounds = array<i64: 4>, scalar_prefetch = 0 : i64, scratch_operands = 0 : i64, tpu.core_type = #tpu.core_type<tc>, window_params = [{transform_indices = @transform_0, window_bounds = array<i64: 1, 20, 5>}, {transform_indices = @transform_1, window_bounds = array<i64: 1, 160, 128>}, {transform_indices = @transform_2, window_bounds = array<i64: 1, 160, 128>}, {transform_indices = @transform_3, window_bounds = array<i64: 1, 160, 128>}, {transform_indices = @transform_4, window_bounds = array<i64: 1, 160, 128>}, {transform_indices = @transform_5, window_bounds = array<i64: 1, 9, 160, 128>}, {transform_indices = @transform_6, window_bounds = array<i64: 1, 160, 128>}]} {
    %get3A = arith.constant 0 : index
    %get3A_0 = arith.constant 0 : index
    %get3A_1 = arith.constant 0 : index
    %get3A_2 = vector.load %arg2[%get3A, %get3A_0, %get3A_1] : memref<1x160x128xf32, #tpu.memory_space<vmem>>, vector<1x160x128xf32>
    %get3A_3 = vector.shape_cast %get3A_2 : vector<1x160x128xf32> to vector<160x128xf32>
    %get3A_4 = arith.constant 0 : index
    %get3A_5 = arith.constant 0 : index
    %get3A_6 = arith.constant 0 : index
    %get3A_7 = vector.load %arg3[%get3A_4, %get3A_5, %get3A_6] : memref<1x160x128xf32, #tpu.memory_space<vmem>>, vector<1x160x128xf32>
    %get3A_8 = vector.shape_cast %get3A_7 : vector<1x160x128xf32> to vector<160x128xf32>
    %get3A_9 = arith.constant 0 : index
    %get3A_10 = arith.constant 0 : index
    %get3A_11 = arith.constant 0 : index
    %get3A_12 = vector.load %arg4[%get3A_9, %get3A_10, %get3A_11] : memref<1x160x128xf32, #tpu.memory_space<vmem>>, vector<1x160x128xf32>
    %get3A_13 = vector.shape_cast %get3A_12 : vector<1x160x128xf32> to vector<160x128xf32>
    %get3A_14 = arith.constant 0 : index
    %get3A_15 = arith.constant 0 : index
    %get3A_16 = arith.constant 0 : index
    %get3A_17 = vector.load %arg5[%get3A_14, %get3A_15, %get3A_16] : memref<1x160x128xf32, #tpu.memory_space<vmem>>, vector<1x160x128xf32>
    %get3A_18 = vector.shape_cast %get3A_17 : vector<1x160x128xf32> to vector<160x128xf32>
    %sub3A = arith.subf %get3A_13, %get3A_3 : vector<160x128xf32>
    %add3A = arith.constant 1.000000e+00 : f32
    %add3A_19 = vector.broadcast %add3A : f32 to vector<160x128xf32>
    %add3A_20 = arith.addf %sub3A, %add3A_19 : vector<160x128xf32>
    %sub3A_21 = arith.subf %get3A_18, %get3A_8 : vector<160x128xf32>
    %add3A_22 = arith.constant 1.000000e+00 : f32
    %add3A_23 = vector.broadcast %add3A_22 : f32 to vector<160x128xf32>
    %add3A_24 = arith.addf %sub3A_21, %add3A_23 : vector<160x128xf32>
    %mul3A = arith.mulf %add3A_20, %add3A_24 : vector<160x128xf32>
    %eq3A = arith.constant 1.000000e+00 : f32
    %eq3A_25 = vector.broadcast %eq3A : f32 to vector<160x128xf32>
    %eq3A_26 = arith.cmpf oeq, %add3A_20, %eq3A_25 : vector<160x128xf32>
    %eq3A_27 = arith.constant 1.000000e+00 : f32
    %eq3A_28 = vector.broadcast %eq3A_27 : f32 to vector<160x128xf32>
    %eq3A_29 = arith.cmpf oeq, %add3A_24, %eq3A_28 : vector<160x128xf32>
    %and3A = arith.andi %eq3A_26, %eq3A_29 : vector<160x128xi1>
    %get3A_30 = arith.constant 0 : index
    %get3A_31 = arith.constant 0 : index
    %get3A_32 = arith.constant 0 : index
    %get3A_33 = memref.load %arg1[%get3A_30, %get3A_31, %get3A_32] : memref<1x20x5xf32, #tpu.memory_space<smem>>
    %get3A_34 = arith.constant 0 : index
    %get3A_35 = arith.constant 0 : index
    %get3A_36 = arith.constant 1 : index
    %get3A_37 = memref.load %arg1[%get3A_34, %get3A_35, %get3A_36] : memref<1x20x5xf32, #tpu.memory_space<smem>>
    %get3A_38 = arith.constant 0 : index
    %get3A_39 = arith.constant 0 : index
    %get3A_40 = arith.constant 2 : index
    %get3A_41 = memref.load %arg1[%get3A_38, %get3A_39, %get3A_40] : memref<1x20x5xf32, #tpu.memory_space<smem>>
    %get3A_42 = arith.constant 0 : index
    %get3A_43 = arith.constant 0 : index
    %get3A_44 = arith.constant 3 : index
    %get3A_45 = memref.load %arg1[%get3A_42, %get3A_43, %get3A_44] : memref<1x20x5xf32, #tpu.memory_space<smem>>
    %get3A_46 = arith.constant 0 : index
    %get3A_47 = arith.constant 0 : index
    %get3A_48 = arith.constant 4 : index
    %get3A_49 = memref.load %arg1[%get3A_46, %get3A_47, %get3A_48] : memref<1x20x5xf32, #tpu.memory_space<smem>>
    %sub3A_50 = arith.subf %get3A_41, %get3A_33 : f32
    %add3A_51 = arith.constant 1.000000e+00 : f32
    %add3A_52 = arith.addf %sub3A_50, %add3A_51 : f32
    %sub3A_53 = arith.subf %get3A_45, %get3A_37 : f32
    %add3A_54 = arith.constant 1.000000e+00 : f32
    %add3A_55 = arith.addf %sub3A_53, %add3A_54 : f32
    %mul3A_56 = arith.mulf %add3A_52, %add3A_55 : f32
    %eq3A_57 = arith.constant 1.000000e+00 : f32
    %eq3A_58 = arith.cmpf oeq, %add3A_52, %eq3A_57 : f32
    %eq3A_59 = arith.constant 1.000000e+00 : f32
    %eq3A_60 = arith.cmpf oeq, %add3A_55, %eq3A_59 : f32
    %and3A_61 = arith.andi %eq3A_58, %eq3A_60 : i1
    %min3A = vector.broadcast %get3A_41 : f32 to vector<160x128xf32>
    %min3A_62 = arith.minimumf %get3A_13, %min3A : vector<160x128xf32>
    %max3A = vector.broadcast %get3A_33 : f32 to vector<160x128xf32>
    %max3A_63 = arith.maximumf %get3A_3, %max3A : vector<160x128xf32>
    %sub3A_64 = arith.subf %min3A_62, %max3A_63 : vector<160x128xf32>
    %add3A_65 = arith.constant 1.000000e+00 : f32
    %add3A_66 = vector.broadcast %add3A_65 : f32 to vector<160x128xf32>
    %add3A_67 = arith.addf %sub3A_64, %add3A_66 : vector<160x128xf32>
    %max3A_68 = arith.constant 0.000000e+00 : f32
    %max3A_69 = vector.broadcast %max3A_68 : f32 to vector<160x128xf32>
    %max3A_70 = arith.maximumf %add3A_67, %max3A_69 : vector<160x128xf32>
    %min3A_71 = vector.broadcast %get3A_45 : f32 to vector<160x128xf32>
    %min3A_72 = arith.minimumf %get3A_18, %min3A_71 : vector<160x128xf32>
    %max3A_73 = vector.broadcast %get3A_37 : f32 to vector<160x128xf32>
    %max3A_74 = arith.maximumf %get3A_8, %max3A_73 : vector<160x128xf32>
    %sub3A_75 = arith.subf %min3A_72, %max3A_74 : vector<160x128xf32>
    %add3A_76 = arith.constant 1.000000e+00 : f32
    %add3A_77 = vector.broadcast %add3A_76 : f32 to vector<160x128xf32>
    %add3A_78 = arith.addf %sub3A_75, %add3A_77 : vector<160x128xf32>
    %max3A_79 = arith.constant 0.000000e+00 : f32
    %max3A_80 = vector.broadcast %max3A_79 : f32 to vector<160x128xf32>
    %max3A_81 = arith.maximumf %add3A_78, %max3A_80 : vector<160x128xf32>
    %mul3A_82 = arith.mulf %max3A_70, %max3A_81 : vector<160x128xf32>
    %add3A_83 = vector.broadcast %mul3A_56 : f32 to vector<160x128xf32>
    %add3A_84 = arith.addf %mul3A, %add3A_83 : vector<160x128xf32>
    %sub3A_85 = arith.subf %add3A_84, %mul3A_82 : vector<160x128xf32>
    %div3A = arith.divf %mul3A_82, %sub3A_85 : vector<160x128xf32>
    %jit3A = arith.constant 0.000000e+00 : f32
    %broadcast_in_dim3A = vector.broadcast %jit3A : f32 to vector<160x128xf32>
    %select_n3A = arith.select %and3A_61, %broadcast_in_dim3A, %div3A : vector<160x128xf32>
    %broadcast_in_dim3A_86 = arith.constant 0.000000e+00 : f32
    %broadcast_in_dim3A_87 = vector.broadcast %broadcast_in_dim3A_86 : f32 to vector<160x128xf32>
    %add3A_88 = vector.broadcast %get3A_49 : f32 to vector<160x128xf32>
    %add3A_89 = arith.addf %broadcast_in_dim3A_87, %add3A_88 : vector<160x128xf32>
    %broadcast_in_dim3A_90 = arith.constant 0.000000e+00 : f32
    %broadcast_in_dim3A_91 = vector.broadcast %broadcast_in_dim3A_90 : f32 to vector<160x128xf32>
    %add3A_92 = vector.broadcast %get3A_33 : f32 to vector<160x128xf32>
    %add3A_93 = arith.addf %broadcast_in_dim3A_91, %add3A_92 : vector<160x128xf32>
    %broadcast_in_dim3A_94 = arith.constant 0.000000e+00 : f32
    %broadcast_in_dim3A_95 = vector.broadcast %broadcast_in_dim3A_94 : f32 to vector<160x128xf32>
    %add3A_96 = vector.broadcast %get3A_37 : f32 to vector<160x128xf32>
    %add3A_97 = arith.addf %broadcast_in_dim3A_95, %add3A_96 : vector<160x128xf32>
    %broadcast_in_dim3A_98 = arith.constant 0.000000e+00 : f32
    %broadcast_in_dim3A_99 = vector.broadcast %broadcast_in_dim3A_98 : f32 to vector<160x128xf32>
    %add3A_100 = vector.broadcast %get3A_41 : f32 to vector<160x128xf32>
    %add3A_101 = arith.addf %broadcast_in_dim3A_99, %add3A_100 : vector<160x128xf32>
    %broadcast_in_dim3A_102 = arith.constant 0.000000e+00 : f32
    %broadcast_in_dim3A_103 = vector.broadcast %broadcast_in_dim3A_102 : f32 to vector<160x128xf32>
    %add3A_104 = vector.broadcast %get3A_45 : f32 to vector<160x128xf32>
    %add3A_105 = arith.addf %broadcast_in_dim3A_103, %add3A_104 : vector<160x128xf32>
    %get3A_106 = arith.constant 0 : index
    %get3A_107 = arith.constant 1 : index
    %get3A_108 = arith.constant 0 : index
    %get3A_109 = memref.load %arg1[%get3A_106, %get3A_107, %get3A_108] : memref<1x20x5xf32, #tpu.memory_space<smem>>
    %get3A_110 = arith.constant 0 : index
    %get3A_111 = arith.constant 1 : index
    %get3A_112 = arith.constant 1 : index
    %get3A_113 = memref.load %arg1[%get3A_110, %get3A_111, %get3A_112] : memref<1x20x5xf32, #tpu.memory_space<smem>>
    %get3A_114 = arith.constant 0 : index
    %get3A_115 = arith.constant 1 : index
    %get3A_116 = arith.constant 2 : index
    %get3A_117 = memref.load %arg1[%get3A_114, %get3A_115, %get3A_116] : memref<1x20x5xf32, #tpu.memory_space<smem>>
    %get3A_118 = arith.constant 0 : index
    %get3A_119 = arith.constant 1 : index
    %get3A_120 = arith.constant 3 : index
    %get3A_121 = memref.load %arg1[%get3A_118, %get3A_119, %get3A_120] : memref<1x20x5xf32, #tpu.memory_space<smem>>
    %get3A_122 = arith.constant 0 : index
    %get3A_123 = arith.constant 1 : index
    %get3A_124 = arith.constant 4 : index
    %get3A_125 = memref.load %arg1[%get3A_122, %get3A_123, %get3A_124] : memref<1x20x5xf32, #tpu.memory_space<smem>>
    %sub3A_126 = arith.subf %get3A_117, %get3A_109 : f32
    %add3A_127 = arith.constant 1.000000e+00 : f32
    %add3A_128 = arith.addf %sub3A_126, %add3A_127 : f32
    %sub3A_129 = arith.subf %get3A_121, %get3A_113 : f32
    %add3A_130 = arith.constant 1.000000e+00 : f32
    %add3A_131 = arith.addf %sub3A_129, %add3A_130 : f32
    %mul3A_132 = arith.mulf %add3A_128, %add3A_131 : f32
    %eq3A_133 = arith.constant 1.000000e+00 : f32
    %eq3A_134 = arith.cmpf oeq, %add3A_128, %eq3A_133 : f32
    %eq3A_135 = arith.constant 1.000000e+00 : f32
    %eq3A_136 = arith.cmpf oeq, %add3A_131, %eq3A_135 : f32
    %and3A_137 = arith.andi %eq3A_134, %eq3A_136 : i1
    %min3A_138 = vector.broadcast %get3A_117 : f32 to vector<160x128xf32>
    %min3A_139 = arith.minimumf %get3A_13, %min3A_138 : vector<160x128xf32>
    %max3A_140 = vector.broadcast %get3A_109 : f32 to vector<160x128xf32>
    %max3A_141 = arith.maximumf %get3A_3, %max3A_140 : vector<160x128xf32>
    %sub3A_142 = arith.subf %min3A_139, %max3A_141 : vector<160x128xf32>
    %add3A_143 = arith.constant 1.000000e+00 : f32
    %add3A_144 = vector.broadcast %add3A_143 : f32 to vector<160x128xf32>
    %add3A_145 = arith.addf %sub3A_142, %add3A_144 : vector<160x128xf32>
    %max3A_146 = arith.constant 0.000000e+00 : f32
    %max3A_147 = vector.broadcast %max3A_146 : f32 to vector<160x128xf32>
    %max3A_148 = arith.maximumf %add3A_145, %max3A_147 : vector<160x128xf32>
    %min3A_149 = vector.broadcast %get3A_121 : f32 to vector<160x128xf32>
    %min3A_150 = arith.minimumf %get3A_18, %min3A_149 : vector<160x128xf32>
    %max3A_151 = vector.broadcast %get3A_113 : f32 to vector<160x128xf32>
    %max3A_152 = arith.maximumf %get3A_8, %max3A_151 : vector<160x128xf32>
    %sub3A_153 = arith.subf %min3A_150, %max3A_152 : vector<160x128xf32>
    %add3A_154 = arith.constant 1.000000e+00 : f32
    %add3A_155 = vector.broadcast %add3A_154 : f32 to vector<160x128xf32>
    %add3A_156 = arith.addf %sub3A_153, %add3A_155 : vector<160x128xf32>
    %max3A_157 = arith.constant 0.000000e+00 : f32
    %max3A_158 = vector.broadcast %max3A_157 : f32 to vector<160x128xf32>
    %max3A_159 = arith.maximumf %add3A_156, %max3A_158 : vector<160x128xf32>
    %mul3A_160 = arith.mulf %max3A_148, %max3A_159 : vector<160x128xf32>
    %add3A_161 = vector.broadcast %mul3A_132 : f32 to vector<160x128xf32>
    %add3A_162 = arith.addf %mul3A, %add3A_161 : vector<160x128xf32>
    %sub3A_163 = arith.subf %add3A_162, %mul3A_160 : vector<160x128xf32>
    %div3A_164 = arith.divf %mul3A_160, %sub3A_163 : vector<160x128xf32>
    %jit3A_165 = arith.constant 0.000000e+00 : f32
    %broadcast_in_dim3A_166 = vector.broadcast %jit3A_165 : f32 to vector<160x128xf32>
    %select_n3A_167 = arith.select %and3A_137, %broadcast_in_dim3A_166, %div3A_164 : vector<160x128xf32>
    %gt3A = arith.cmpf ogt, %select_n3A_167, %select_n3A : vector<160x128xf32>
    %select_n3A_168 = arith.select %gt3A, %select_n3A_167, %select_n3A : vector<160x128xi1>, vector<160x128xf32>
    %broadcast_in_dim3A_169 = vector.broadcast %get3A_125 : f32 to vector<160x128xf32>
    %select_n3A_170 = arith.select %gt3A, %broadcast_in_dim3A_169, %add3A_89 : vector<160x128xi1>, vector<160x128xf32>
    %broadcast_in_dim3A_171 = vector.broadcast %get3A_109 : f32 to vector<160x128xf32>
    %select_n3A_172 = arith.select %gt3A, %broadcast_in_dim3A_171, %add3A_93 : vector<160x128xi1>, vector<160x128xf32>
    %broadcast_in_dim3A_173 = vector.broadcast %get3A_113 : f32 to vector<160x128xf32>
    %select_n3A_174 = arith.select %gt3A, %broadcast_in_dim3A_173, %add3A_97 : vector<160x128xi1>, vector<160x128xf32>
    %broadcast_in_dim3A_175 = vector.broadcast %get3A_117 : f32 to vector<160x128xf32>
    %select_n3A_176 = arith.select %gt3A, %broadcast_in_dim3A_175, %add3A_101 : vector<160x128xi1>, vector<160x128xf32>
    %broadcast_in_dim3A_177 = vector.broadcast %get3A_121 : f32 to vector<160x128xf32>
    %select_n3A_178 = arith.select %gt3A, %broadcast_in_dim3A_177, %add3A_105 : vector<160x128xi1>, vector<160x128xf32>
    %get3A_179 = arith.constant 0 : index
    %get3A_180 = arith.constant 2 : index
    %get3A_181 = arith.constant 0 : index
    %get3A_182 = memref.load %arg1[%get3A_179, %get3A_180, %get3A_181] : memref<1x20x5xf32, #tpu.memory_space<smem>>
    %get3A_183 = arith.constant 0 : index
    %get3A_184 = arith.constant 2 : index
    %get3A_185 = arith.constant 1 : index
    %get3A_186 = memref.load %arg1[%get3A_183, %get3A_184, %get3A_185] : memref<1x20x5xf32, #tpu.memory_space<smem>>
    %get3A_187 = arith.constant 0 : index
    %get3A_188 = arith.constant 2 : index
    %get3A_189 = arith.constant 2 : index
    %get3A_190 = memref.load %arg1[%get3A_187, %get3A_188, %get3A_189] : memref<1x20x5xf32, #tpu.memory_space<smem>>
    %get3A_191 = arith.constant 0 : index
    %get3A_192 = arith.constant 2 : index
    %get3A_193 = arith.constant 3 : index
    %get3A_194 = memref.load %arg1[%get3A_191, %get3A_192, %get3A_193] : memref<1x20x5xf32, #tpu.memory_space<smem>>
    %get3A_195 = arith.constant 0 : index
    %get3A_196 = arith.constant 2 : index
    %get3A_197 = arith.constant 4 : index
    %get3A_198 = memref.load %arg1[%get3A_195, %get3A_196, %get3A_197] : memref<1x20x5xf32, #tpu.memory_space<smem>>
    %sub3A_199 = arith.subf %get3A_190, %get3A_182 : f32
    %add3A_200 = arith.constant 1.000000e+00 : f32
    %add3A_201 = arith.addf %sub3A_199, %add3A_200 : f32
    %sub3A_202 = arith.subf %get3A_194, %get3A_186 : f32
    %add3A_203 = arith.constant 1.000000e+00 : f32
    %add3A_204 = arith.addf %sub3A_202, %add3A_203 : f32
    %mul3A_205 = arith.mulf %add3A_201, %add3A_204 : f32
    %eq3A_206 = arith.constant 1.000000e+00 : f32
    %eq3A_207 = arith.cmpf oeq, %add3A_201, %eq3A_206 : f32
    %eq3A_208 = arith.constant 1.000000e+00 : f32
    %eq3A_209 = arith.cmpf oeq, %add3A_204, %eq3A_208 : f32
    %and3A_210 = arith.andi %eq3A_207, %eq3A_209 : i1
    %min3A_211 = vector.broadcast %get3A_190 : f32 to vector<160x128xf32>
    %min3A_212 = arith.minimumf %get3A_13, %min3A_211 : vector<160x128xf32>
    %max3A_213 = vector.broadcast %get3A_182 : f32 to vector<160x128xf32>
    %max3A_214 = arith.maximumf %get3A_3, %max3A_213 : vector<160x128xf32>
    %sub3A_215 = arith.subf %min3A_212, %max3A_214 : vector<160x128xf32>
    %add3A_216 = arith.constant 1.000000e+00 : f32
    %add3A_217 = vector.broadcast %add3A_216 : f32 to vector<160x128xf32>
    %add3A_218 = arith.addf %sub3A_215, %add3A_217 : vector<160x128xf32>
    %max3A_219 = arith.constant 0.000000e+00 : f32
    %max3A_220 = vector.broadcast %max3A_219 : f32 to vector<160x128xf32>
    %max3A_221 = arith.maximumf %add3A_218, %max3A_220 : vector<160x128xf32>
    %min3A_222 = vector.broadcast %get3A_194 : f32 to vector<160x128xf32>
    %min3A_223 = arith.minimumf %get3A_18, %min3A_222 : vector<160x128xf32>
    %max3A_224 = vector.broadcast %get3A_186 : f32 to vector<160x128xf32>
    %max3A_225 = arith.maximumf %get3A_8, %max3A_224 : vector<160x128xf32>
    %sub3A_226 = arith.subf %min3A_223, %max3A_225 : vector<160x128xf32>
    %add3A_227 = arith.constant 1.000000e+00 : f32
    %add3A_228 = vector.broadcast %add3A_227 : f32 to vector<160x128xf32>
    %add3A_229 = arith.addf %sub3A_226, %add3A_228 : vector<160x128xf32>
    %max3A_230 = arith.constant 0.000000e+00 : f32
    %max3A_231 = vector.broadcast %max3A_230 : f32 to vector<160x128xf32>
    %max3A_232 = arith.maximumf %add3A_229, %max3A_231 : vector<160x128xf32>
    %mul3A_233 = arith.mulf %max3A_221, %max3A_232 : vector<160x128xf32>
    %add3A_234 = vector.broadcast %mul3A_205 : f32 to vector<160x128xf32>
    %add3A_235 = arith.addf %mul3A, %add3A_234 : vector<160x128xf32>
    %sub3A_236 = arith.subf %add3A_235, %mul3A_233 : vector<160x128xf32>
    %div3A_237 = arith.divf %mul3A_233, %sub3A_236 : vector<160x128xf32>
    %jit3A_238 = arith.constant 0.000000e+00 : f32
    %broadcast_in_dim3A_239 = vector.broadcast %jit3A_238 : f32 to vector<160x128xf32>
    %select_n3A_240 = arith.select %and3A_210, %broadcast_in_dim3A_239, %div3A_237 : vector<160x128xf32>
    %gt3A_241 = arith.cmpf ogt, %select_n3A_240, %select_n3A_168 : vector<160x128xf32>
    %select_n3A_242 = arith.select %gt3A_241, %select_n3A_240, %select_n3A_168 : vector<160x128xi1>, vector<160x128xf32>
    %broadcast_in_dim3A_243 = vector.broadcast %get3A_198 : f32 to vector<160x128xf32>
    %select_n3A_244 = arith.select %gt3A_241, %broadcast_in_dim3A_243, %select_n3A_170 : vector<160x128xi1>, vector<160x128xf32>
    %broadcast_in_dim3A_245 = vector.broadcast %get3A_182 : f32 to vector<160x128xf32>
    %select_n3A_246 = arith.select %gt3A_241, %broadcast_in_dim3A_245, %select_n3A_172 : vector<160x128xi1>, vector<160x128xf32>
    %broadcast_in_dim3A_247 = vector.broadcast %get3A_186 : f32 to vector<160x128xf32>
    %select_n3A_248 = arith.select %gt3A_241, %broadcast_in_dim3A_247, %select_n3A_174 : vector<160x128xi1>, vector<160x128xf32>
    %broadcast_in_dim3A_249 = vector.broadcast %get3A_190 : f32 to vector<160x128xf32>
    %select_n3A_250 = arith.select %gt3A_241, %broadcast_in_dim3A_249, %select_n3A_176 : vector<160x128xi1>, vector<160x128xf32>
    %broadcast_in_dim3A_251 = vector.broadcast %get3A_194 : f32 to vector<160x128xf32>
    %select_n3A_252 = arith.select %gt3A_241, %broadcast_in_dim3A_251, %select_n3A_178 : vector<160x128xi1>, vector<160x128xf32>
    %get3A_253 = arith.constant 0 : index
    %get3A_254 = arith.constant 3 : index
    %get3A_255 = arith.constant 0 : index
    %get3A_256 = memref.load %arg1[%get3A_253, %get3A_254, %get3A_255] : memref<1x20x5xf32, #tpu.memory_space<smem>>
    %get3A_257 = arith.constant 0 : index
    %get3A_258 = arith.constant 3 : index
    %get3A_259 = arith.constant 1 : index
    %get3A_260 = memref.load %arg1[%get3A_257, %get3A_258, %get3A_259] : memref<1x20x5xf32, #tpu.memory_space<smem>>
    %get3A_261 = arith.constant 0 : index
    %get3A_262 = arith.constant 3 : index
    %get3A_263 = arith.constant 2 : index
    %get3A_264 = memref.load %arg1[%get3A_261, %get3A_262, %get3A_263] : memref<1x20x5xf32, #tpu.memory_space<smem>>
    %get3A_265 = arith.constant 0 : index
    %get3A_266 = arith.constant 3 : index
    %get3A_267 = arith.constant 3 : index
    %get3A_268 = memref.load %arg1[%get3A_265, %get3A_266, %get3A_267] : memref<1x20x5xf32, #tpu.memory_space<smem>>
    %get3A_269 = arith.constant 0 : index
    %get3A_270 = arith.constant 3 : index
    %get3A_271 = arith.constant 4 : index
    %get3A_272 = memref.load %arg1[%get3A_269, %get3A_270, %get3A_271] : memref<1x20x5xf32, #tpu.memory_space<smem>>
    %sub3A_273 = arith.subf %get3A_264, %get3A_256 : f32
    %add3A_274 = arith.constant 1.000000e+00 : f32
    %add3A_275 = arith.addf %sub3A_273, %add3A_274 : f32
    %sub3A_276 = arith.subf %get3A_268, %get3A_260 : f32
    %add3A_277 = arith.constant 1.000000e+00 : f32
    %add3A_278 = arith.addf %sub3A_276, %add3A_277 : f32
    %mul3A_279 = arith.mulf %add3A_275, %add3A_278 : f32
    %eq3A_280 = arith.constant 1.000000e+00 : f32
    %eq3A_281 = arith.cmpf oeq, %add3A_275, %eq3A_280 : f32
    %eq3A_282 = arith.constant 1.000000e+00 : f32
    %eq3A_283 = arith.cmpf oeq, %add3A_278, %eq3A_282 : f32
    %and3A_284 = arith.andi %eq3A_281, %eq3A_283 : i1
    %min3A_285 = vector.broadcast %get3A_264 : f32 to vector<160x128xf32>
    %min3A_286 = arith.minimumf %get3A_13, %min3A_285 : vector<160x128xf32>
    %max3A_287 = vector.broadcast %get3A_256 : f32 to vector<160x128xf32>
    %max3A_288 = arith.maximumf %get3A_3, %max3A_287 : vector<160x128xf32>
    %sub3A_289 = arith.subf %min3A_286, %max3A_288 : vector<160x128xf32>
    %add3A_290 = arith.constant 1.000000e+00 : f32
    %add3A_291 = vector.broadcast %add3A_290 : f32 to vector<160x128xf32>
    %add3A_292 = arith.addf %sub3A_289, %add3A_291 : vector<160x128xf32>
    %max3A_293 = arith.constant 0.000000e+00 : f32
    %max3A_294 = vector.broadcast %max3A_293 : f32 to vector<160x128xf32>
    %max3A_295 = arith.maximumf %add3A_292, %max3A_294 : vector<160x128xf32>
    %min3A_296 = vector.broadcast %get3A_268 : f32 to vector<160x128xf32>
    %min3A_297 = arith.minimumf %get3A_18, %min3A_296 : vector<160x128xf32>
    %max3A_298 = vector.broadcast %get3A_260 : f32 to vector<160x128xf32>
    %max3A_299 = arith.maximumf %get3A_8, %max3A_298 : vector<160x128xf32>
    %sub3A_300 = arith.subf %min3A_297, %max3A_299 : vector<160x128xf32>
    %add3A_301 = arith.constant 1.000000e+00 : f32
    %add3A_302 = vector.broadcast %add3A_301 : f32 to vector<160x128xf32>
    %add3A_303 = arith.addf %sub3A_300, %add3A_302 : vector<160x128xf32>
    %max3A_304 = arith.constant 0.000000e+00 : f32
    %max3A_305 = vector.broadcast %max3A_304 : f32 to vector<160x128xf32>
    %max3A_306 = arith.maximumf %add3A_303, %max3A_305 : vector<160x128xf32>
    %mul3A_307 = arith.mulf %max3A_295, %max3A_306 : vector<160x128xf32>
    %add3A_308 = vector.broadcast %mul3A_279 : f32 to vector<160x128xf32>
    %add3A_309 = arith.addf %mul3A, %add3A_308 : vector<160x128xf32>
    %sub3A_310 = arith.subf %add3A_309, %mul3A_307 : vector<160x128xf32>
    %div3A_311 = arith.divf %mul3A_307, %sub3A_310 : vector<160x128xf32>
    %jit3A_312 = arith.constant 0.000000e+00 : f32
    %broadcast_in_dim3A_313 = vector.broadcast %jit3A_312 : f32 to vector<160x128xf32>
    %select_n3A_314 = arith.select %and3A_284, %broadcast_in_dim3A_313, %div3A_311 : vector<160x128xf32>
    %gt3A_315 = arith.cmpf ogt, %select_n3A_314, %select_n3A_242 : vector<160x128xf32>
    %select_n3A_316 = arith.select %gt3A_315, %select_n3A_314, %select_n3A_242 : vector<160x128xi1>, vector<160x128xf32>
    %broadcast_in_dim3A_317 = vector.broadcast %get3A_272 : f32 to vector<160x128xf32>
    %select_n3A_318 = arith.select %gt3A_315, %broadcast_in_dim3A_317, %select_n3A_244 : vector<160x128xi1>, vector<160x128xf32>
    %broadcast_in_dim3A_319 = vector.broadcast %get3A_256 : f32 to vector<160x128xf32>
    %select_n3A_320 = arith.select %gt3A_315, %broadcast_in_dim3A_319, %select_n3A_246 : vector<160x128xi1>, vector<160x128xf32>
    %broadcast_in_dim3A_321 = vector.broadcast %get3A_260 : f32 to vector<160x128xf32>
    %select_n3A_322 = arith.select %gt3A_315, %broadcast_in_dim3A_321, %select_n3A_248 : vector<160x128xi1>, vector<160x128xf32>
    %broadcast_in_dim3A_323 = vector.broadcast %get3A_264 : f32 to vector<160x128xf32>
    %select_n3A_324 = arith.select %gt3A_315, %broadcast_in_dim3A_323, %select_n3A_250 : vector<160x128xi1>, vector<160x128xf32>
    %broadcast_in_dim3A_325 = vector.broadcast %get3A_268 : f32 to vector<160x128xf32>
    %select_n3A_326 = arith.select %gt3A_315, %broadcast_in_dim3A_325, %select_n3A_252 : vector<160x128xi1>, vector<160x128xf32>
    %get3A_327 = arith.constant 0 : index
    %get3A_328 = arith.constant 4 : index
    %get3A_329 = arith.constant 0 : index
    %get3A_330 = memref.load %arg1[%get3A_327, %get3A_328, %get3A_329] : memref<1x20x5xf32, #tpu.memory_space<smem>>
    %get3A_331 = arith.constant 0 : index
    %get3A_332 = arith.constant 4 : index
    %get3A_333 = arith.constant 1 : index
    %get3A_334 = memref.load %arg1[%get3A_331, %get3A_332, %get3A_333] : memref<1x20x5xf32, #tpu.memory_space<smem>>
    %get3A_335 = arith.constant 0 : index
    %get3A_336 = arith.constant 4 : index
    %get3A_337 = arith.constant 2 : index
    %get3A_338 = memref.load %arg1[%get3A_335, %get3A_336, %get3A_337] : memref<1x20x5xf32, #tpu.memory_space<smem>>
    %get3A_339 = arith.constant 0 : index
    %get3A_340 = arith.constant 4 : index
    %get3A_341 = arith.constant 3 : index
    %get3A_342 = memref.load %arg1[%get3A_339, %get3A_340, %get3A_341] : memref<1x20x5xf32, #tpu.memory_space<smem>>
    %get3A_343 = arith.constant 0 : index
    %get3A_344 = arith.constant 4 : index
    %get3A_345 = arith.constant 4 : index
    %get3A_346 = memref.load %arg1[%get3A_343, %get3A_344, %get3A_345] : memref<1x20x5xf32, #tpu.memory_space<smem>>
    %sub3A_347 = arith.subf %get3A_338, %get3A_330 : f32
    %add3A_348 = arith.constant 1.000000e+00 : f32
    %add3A_349 = arith.addf %sub3A_347, %add3A_348 : f32
    %sub3A_350 = arith.subf %get3A_342, %get3A_334 : f32
    %add3A_351 = arith.constant 1.000000e+00 : f32
    %add3A_352 = arith.addf %sub3A_350, %add3A_351 : f32
    %mul3A_353 = arith.mulf %add3A_349, %add3A_352 : f32
    %eq3A_354 = arith.constant 1.000000e+00 : f32
    %eq3A_355 = arith.cmpf oeq, %add3A_349, %eq3A_354 : f32
    %eq3A_356 = arith.constant 1.000000e+00 : f32
    %eq3A_357 = arith.cmpf oeq, %add3A_352, %eq3A_356 : f32
    %and3A_358 = arith.andi %eq3A_355, %eq3A_357 : i1
    %min3A_359 = vector.broadcast %get3A_338 : f32 to vector<160x128xf32>
    %min3A_360 = arith.minimumf %get3A_13, %min3A_359 : vector<160x128xf32>
    %max3A_361 = vector.broadcast %get3A_330 : f32 to vector<160x128xf32>
    %max3A_362 = arith.maximumf %get3A_3, %max3A_361 : vector<160x128xf32>
    %sub3A_363 = arith.subf %min3A_360, %max3A_362 : vector<160x128xf32>
    %add3A_364 = arith.constant 1.000000e+00 : f32
    %add3A_365 = vector.broadcast %add3A_364 : f32 to vector<160x128xf32>
    %add3A_366 = arith.addf %sub3A_363, %add3A_365 : vector<160x128xf32>
    %max3A_367 = arith.constant 0.000000e+00 : f32
    %max3A_368 = vector.broadcast %max3A_367 : f32 to vector<160x128xf32>
    %max3A_369 = arith.maximumf %add3A_366, %max3A_368 : vector<160x128xf32>
    %min3A_370 = vector.broadcast %get3A_342 : f32 to vector<160x128xf32>
    %min3A_371 = arith.minimumf %get3A_18, %min3A_370 : vector<160x128xf32>
    %max3A_372 = vector.broadcast %get3A_334 : f32 to vector<160x128xf32>
    %max3A_373 = arith.maximumf %get3A_8, %max3A_372 : vector<160x128xf32>
    %sub3A_374 = arith.subf %min3A_371, %max3A_373 : vector<160x128xf32>
    %add3A_375 = arith.constant 1.000000e+00 : f32
    %add3A_376 = vector.broadcast %add3A_375 : f32 to vector<160x128xf32>
    %add3A_377 = arith.addf %sub3A_374, %add3A_376 : vector<160x128xf32>
    %max3A_378 = arith.constant 0.000000e+00 : f32
    %max3A_379 = vector.broadcast %max3A_378 : f32 to vector<160x128xf32>
    %max3A_380 = arith.maximumf %add3A_377, %max3A_379 : vector<160x128xf32>
    %mul3A_381 = arith.mulf %max3A_369, %max3A_380 : vector<160x128xf32>
    %add3A_382 = vector.broadcast %mul3A_353 : f32 to vector<160x128xf32>
    %add3A_383 = arith.addf %mul3A, %add3A_382 : vector<160x128xf32>
    %sub3A_384 = arith.subf %add3A_383, %mul3A_381 : vector<160x128xf32>
    %div3A_385 = arith.divf %mul3A_381, %sub3A_384 : vector<160x128xf32>
    %jit3A_386 = arith.constant 0.000000e+00 : f32
    %broadcast_in_dim3A_387 = vector.broadcast %jit3A_386 : f32 to vector<160x128xf32>
    %select_n3A_388 = arith.select %and3A_358, %broadcast_in_dim3A_387, %div3A_385 : vector<160x128xf32>
    %gt3A_389 = arith.cmpf ogt, %select_n3A_388, %select_n3A_316 : vector<160x128xf32>
    %select_n3A_390 = arith.select %gt3A_389, %select_n3A_388, %select_n3A_316 : vector<160x128xi1>, vector<160x128xf32>
    %broadcast_in_dim3A_391 = vector.broadcast %get3A_346 : f32 to vector<160x128xf32>
    %select_n3A_392 = arith.select %gt3A_389, %broadcast_in_dim3A_391, %select_n3A_318 : vector<160x128xi1>, vector<160x128xf32>
    %broadcast_in_dim3A_393 = vector.broadcast %get3A_330 : f32 to vector<160x128xf32>
    %select_n3A_394 = arith.select %gt3A_389, %broadcast_in_dim3A_393, %select_n3A_320 : vector<160x128xi1>, vector<160x128xf32>
    %broadcast_in_dim3A_395 = vector.broadcast %get3A_334 : f32 to vector<160x128xf32>
    %select_n3A_396 = arith.select %gt3A_389, %broadcast_in_dim3A_395, %select_n3A_322 : vector<160x128xi1>, vector<160x128xf32>
    %broadcast_in_dim3A_397 = vector.broadcast %get3A_338 : f32 to vector<160x128xf32>
    %select_n3A_398 = arith.select %gt3A_389, %broadcast_in_dim3A_397, %select_n3A_324 : vector<160x128xi1>, vector<160x128xf32>
    %broadcast_in_dim3A_399 = vector.broadcast %get3A_342 : f32 to vector<160x128xf32>
    %select_n3A_400 = arith.select %gt3A_389, %broadcast_in_dim3A_399, %select_n3A_326 : vector<160x128xi1>, vector<160x128xf32>
    %get3A_401 = arith.constant 0 : index
    %get3A_402 = arith.constant 5 : index
    %get3A_403 = arith.constant 0 : index
    %get3A_404 = memref.load %arg1[%get3A_401, %get3A_402, %get3A_403] : memref<1x20x5xf32, #tpu.memory_space<smem>>
    %get3A_405 = arith.constant 0 : index
    %get3A_406 = arith.constant 5 : index
    %get3A_407 = arith.constant 1 : index
    %get3A_408 = memref.load %arg1[%get3A_405, %get3A_406, %get3A_407] : memref<1x20x5xf32, #tpu.memory_space<smem>>
    %get3A_409 = arith.constant 0 : index
    %get3A_410 = arith.constant 5 : index
    %get3A_411 = arith.constant 2 : index
    %get3A_412 = memref.load %arg1[%get3A_409, %get3A_410, %get3A_411] : memref<1x20x5xf32, #tpu.memory_space<smem>>
    %get3A_413 = arith.constant 0 : index
    %get3A_414 = arith.constant 5 : index
    %get3A_415 = arith.constant 3 : index
    %get3A_416 = memref.load %arg1[%get3A_413, %get3A_414, %get3A_415] : memref<1x20x5xf32, #tpu.memory_space<smem>>
    %get3A_417 = arith.constant 0 : index
    %get3A_418 = arith.constant 5 : index
    %get3A_419 = arith.constant 4 : index
    %get3A_420 = memref.load %arg1[%get3A_417, %get3A_418, %get3A_419] : memref<1x20x5xf32, #tpu.memory_space<smem>>
    %sub3A_421 = arith.subf %get3A_412, %get3A_404 : f32
    %add3A_422 = arith.constant 1.000000e+00 : f32
    %add3A_423 = arith.addf %sub3A_421, %add3A_422 : f32
    %sub3A_424 = arith.subf %get3A_416, %get3A_408 : f32
    %add3A_425 = arith.constant 1.000000e+00 : f32
    %add3A_426 = arith.addf %sub3A_424, %add3A_425 : f32
    %mul3A_427 = arith.mulf %add3A_423, %add3A_426 : f32
    %eq3A_428 = arith.constant 1.000000e+00 : f32
    %eq3A_429 = arith.cmpf oeq, %add3A_423, %eq3A_428 : f32
    %eq3A_430 = arith.constant 1.000000e+00 : f32
    %eq3A_431 = arith.cmpf oeq, %add3A_426, %eq3A_430 : f32
    %and3A_432 = arith.andi %eq3A_429, %eq3A_431 : i1
    %min3A_433 = vector.broadcast %get3A_412 : f32 to vector<160x128xf32>
    %min3A_434 = arith.minimumf %get3A_13, %min3A_433 : vector<160x128xf32>
    %max3A_435 = vector.broadcast %get3A_404 : f32 to vector<160x128xf32>
    %max3A_436 = arith.maximumf %get3A_3, %max3A_435 : vector<160x128xf32>
    %sub3A_437 = arith.subf %min3A_434, %max3A_436 : vector<160x128xf32>
    %add3A_438 = arith.constant 1.000000e+00 : f32
    %add3A_439 = vector.broadcast %add3A_438 : f32 to vector<160x128xf32>
    %add3A_440 = arith.addf %sub3A_437, %add3A_439 : vector<160x128xf32>
    %max3A_441 = arith.constant 0.000000e+00 : f32
    %max3A_442 = vector.broadcast %max3A_441 : f32 to vector<160x128xf32>
    %max3A_443 = arith.maximumf %add3A_440, %max3A_442 : vector<160x128xf32>
    %min3A_444 = vector.broadcast %get3A_416 : f32 to vector<160x128xf32>
    %min3A_445 = arith.minimumf %get3A_18, %min3A_444 : vector<160x128xf32>
    %max3A_446 = vector.broadcast %get3A_408 : f32 to vector<160x128xf32>
    %max3A_447 = arith.maximumf %get3A_8, %max3A_446 : vector<160x128xf32>
    %sub3A_448 = arith.subf %min3A_445, %max3A_447 : vector<160x128xf32>
    %add3A_449 = arith.constant 1.000000e+00 : f32
    %add3A_450 = vector.broadcast %add3A_449 : f32 to vector<160x128xf32>
    %add3A_451 = arith.addf %sub3A_448, %add3A_450 : vector<160x128xf32>
    %max3A_452 = arith.constant 0.000000e+00 : f32
    %max3A_453 = vector.broadcast %max3A_452 : f32 to vector<160x128xf32>
    %max3A_454 = arith.maximumf %add3A_451, %max3A_453 : vector<160x128xf32>
    %mul3A_455 = arith.mulf %max3A_443, %max3A_454 : vector<160x128xf32>
    %add3A_456 = vector.broadcast %mul3A_427 : f32 to vector<160x128xf32>
    %add3A_457 = arith.addf %mul3A, %add3A_456 : vector<160x128xf32>
    %sub3A_458 = arith.subf %add3A_457, %mul3A_455 : vector<160x128xf32>
    %div3A_459 = arith.divf %mul3A_455, %sub3A_458 : vector<160x128xf32>
    %jit3A_460 = arith.constant 0.000000e+00 : f32
    %broadcast_in_dim3A_461 = vector.broadcast %jit3A_460 : f32 to vector<160x128xf32>
    %select_n3A_462 = arith.select %and3A_432, %broadcast_in_dim3A_461, %div3A_459 : vector<160x128xf32>
    %gt3A_463 = arith.cmpf ogt, %select_n3A_462, %select_n3A_390 : vector<160x128xf32>
    %select_n3A_464 = arith.select %gt3A_463, %select_n3A_462, %select_n3A_390 : vector<160x128xi1>, vector<160x128xf32>
    %broadcast_in_dim3A_465 = vector.broadcast %get3A_420 : f32 to vector<160x128xf32>
    %select_n3A_466 = arith.select %gt3A_463, %broadcast_in_dim3A_465, %select_n3A_392 : vector<160x128xi1>, vector<160x128xf32>
    %broadcast_in_dim3A_467 = vector.broadcast %get3A_404 : f32 to vector<160x128xf32>
    %select_n3A_468 = arith.select %gt3A_463, %broadcast_in_dim3A_467, %select_n3A_394 : vector<160x128xi1>, vector<160x128xf32>
    %broadcast_in_dim3A_469 = vector.broadcast %get3A_408 : f32 to vector<160x128xf32>
    %select_n3A_470 = arith.select %gt3A_463, %broadcast_in_dim3A_469, %select_n3A_396 : vector<160x128xi1>, vector<160x128xf32>
    %broadcast_in_dim3A_471 = vector.broadcast %get3A_412 : f32 to vector<160x128xf32>
    %select_n3A_472 = arith.select %gt3A_463, %broadcast_in_dim3A_471, %select_n3A_398 : vector<160x128xi1>, vector<160x128xf32>
    %broadcast_in_dim3A_473 = vector.broadcast %get3A_416 : f32 to vector<160x128xf32>
    %select_n3A_474 = arith.select %gt3A_463, %broadcast_in_dim3A_473, %select_n3A_400 : vector<160x128xi1>, vector<160x128xf32>
    %get3A_475 = arith.constant 0 : index
    %get3A_476 = arith.constant 6 : index
    %get3A_477 = arith.constant 0 : index
    %get3A_478 = memref.load %arg1[%get3A_475, %get3A_476, %get3A_477] : memref<1x20x5xf32, #tpu.memory_space<smem>>
    %get3A_479 = arith.constant 0 : index
    %get3A_480 = arith.constant 6 : index
    %get3A_481 = arith.constant 1 : index
    %get3A_482 = memref.load %arg1[%get3A_479, %get3A_480, %get3A_481] : memref<1x20x5xf32, #tpu.memory_space<smem>>
    %get3A_483 = arith.constant 0 : index
    %get3A_484 = arith.constant 6 : index
    %get3A_485 = arith.constant 2 : index
    %get3A_486 = memref.load %arg1[%get3A_483, %get3A_484, %get3A_485] : memref<1x20x5xf32, #tpu.memory_space<smem>>
    %get3A_487 = arith.constant 0 : index
    %get3A_488 = arith.constant 6 : index
    %get3A_489 = arith.constant 3 : index
    %get3A_490 = memref.load %arg1[%get3A_487, %get3A_488, %get3A_489] : memref<1x20x5xf32, #tpu.memory_space<smem>>
    %get3A_491 = arith.constant 0 : index
    %get3A_492 = arith.constant 6 : index
    %get3A_493 = arith.constant 4 : index
    %get3A_494 = memref.load %arg1[%get3A_491, %get3A_492, %get3A_493] : memref<1x20x5xf32, #tpu.memory_space<smem>>
    %sub3A_495 = arith.subf %get3A_486, %get3A_478 : f32
    %add3A_496 = arith.constant 1.000000e+00 : f32
    %add3A_497 = arith.addf %sub3A_495, %add3A_496 : f32
    %sub3A_498 = arith.subf %get3A_490, %get3A_482 : f32
    %add3A_499 = arith.constant 1.000000e+00 : f32
    %add3A_500 = arith.addf %sub3A_498, %add3A_499 : f32
    %mul3A_501 = arith.mulf %add3A_497, %add3A_500 : f32
    %eq3A_502 = arith.constant 1.000000e+00 : f32
    %eq3A_503 = arith.cmpf oeq, %add3A_497, %eq3A_502 : f32
    %eq3A_504 = arith.constant 1.000000e+00 : f32
    %eq3A_505 = arith.cmpf oeq, %add3A_500, %eq3A_504 : f32
    %and3A_506 = arith.andi %eq3A_503, %eq3A_505 : i1
    %min3A_507 = vector.broadcast %get3A_486 : f32 to vector<160x128xf32>
    %min3A_508 = arith.minimumf %get3A_13, %min3A_507 : vector<160x128xf32>
    %max3A_509 = vector.broadcast %get3A_478 : f32 to vector<160x128xf32>
    %max3A_510 = arith.maximumf %get3A_3, %max3A_509 : vector<160x128xf32>
    %sub3A_511 = arith.subf %min3A_508, %max3A_510 : vector<160x128xf32>
    %add3A_512 = arith.constant 1.000000e+00 : f32
    %add3A_513 = vector.broadcast %add3A_512 : f32 to vector<160x128xf32>
    %add3A_514 = arith.addf %sub3A_511, %add3A_513 : vector<160x128xf32>
    %max3A_515 = arith.constant 0.000000e+00 : f32
    %max3A_516 = vector.broadcast %max3A_515 : f32 to vector<160x128xf32>
    %max3A_517 = arith.maximumf %add3A_514, %max3A_516 : vector<160x128xf32>
    %min3A_518 = vector.broadcast %get3A_490 : f32 to vector<160x128xf32>
    %min3A_519 = arith.minimumf %get3A_18, %min3A_518 : vector<160x128xf32>
    %max3A_520 = vector.broadcast %get3A_482 : f32 to vector<160x128xf32>
    %max3A_521 = arith.maximumf %get3A_8, %max3A_520 : vector<160x128xf32>
    %sub3A_522 = arith.subf %min3A_519, %max3A_521 : vector<160x128xf32>
    %add3A_523 = arith.constant 1.000000e+00 : f32
    %add3A_524 = vector.broadcast %add3A_523 : f32 to vector<160x128xf32>
    %add3A_525 = arith.addf %sub3A_522, %add3A_524 : vector<160x128xf32>
    %max3A_526 = arith.constant 0.000000e+00 : f32
    %max3A_527 = vector.broadcast %max3A_526 : f32 to vector<160x128xf32>
    %max3A_528 = arith.maximumf %add3A_525, %max3A_527 : vector<160x128xf32>
    %mul3A_529 = arith.mulf %max3A_517, %max3A_528 : vector<160x128xf32>
    %add3A_530 = vector.broadcast %mul3A_501 : f32 to vector<160x128xf32>
    %add3A_531 = arith.addf %mul3A, %add3A_530 : vector<160x128xf32>
    %sub3A_532 = arith.subf %add3A_531, %mul3A_529 : vector<160x128xf32>
    %div3A_533 = arith.divf %mul3A_529, %sub3A_532 : vector<160x128xf32>
    %jit3A_534 = arith.constant 0.000000e+00 : f32
    %broadcast_in_dim3A_535 = vector.broadcast %jit3A_534 : f32 to vector<160x128xf32>
    %select_n3A_536 = arith.select %and3A_506, %broadcast_in_dim3A_535, %div3A_533 : vector<160x128xf32>
    %gt3A_537 = arith.cmpf ogt, %select_n3A_536, %select_n3A_464 : vector<160x128xf32>
    %select_n3A_538 = arith.select %gt3A_537, %select_n3A_536, %select_n3A_464 : vector<160x128xi1>, vector<160x128xf32>
    %broadcast_in_dim3A_539 = vector.broadcast %get3A_494 : f32 to vector<160x128xf32>
    %select_n3A_540 = arith.select %gt3A_537, %broadcast_in_dim3A_539, %select_n3A_466 : vector<160x128xi1>, vector<160x128xf32>
    %broadcast_in_dim3A_541 = vector.broadcast %get3A_478 : f32 to vector<160x128xf32>
    %select_n3A_542 = arith.select %gt3A_537, %broadcast_in_dim3A_541, %select_n3A_468 : vector<160x128xi1>, vector<160x128xf32>
    %broadcast_in_dim3A_543 = vector.broadcast %get3A_482 : f32 to vector<160x128xf32>
    %select_n3A_544 = arith.select %gt3A_537, %broadcast_in_dim3A_543, %select_n3A_470 : vector<160x128xi1>, vector<160x128xf32>
    %broadcast_in_dim3A_545 = vector.broadcast %get3A_486 : f32 to vector<160x128xf32>
    %select_n3A_546 = arith.select %gt3A_537, %broadcast_in_dim3A_545, %select_n3A_472 : vector<160x128xi1>, vector<160x128xf32>
    %broadcast_in_dim3A_547 = vector.broadcast %get3A_490 : f32 to vector<160x128xf32>
    %select_n3A_548 = arith.select %gt3A_537, %broadcast_in_dim3A_547, %select_n3A_474 : vector<160x128xi1>, vector<160x128xf32>
    %get3A_549 = arith.constant 0 : index
    %get3A_550 = arith.constant 7 : index
    %get3A_551 = arith.constant 0 : index
    %get3A_552 = memref.load %arg1[%get3A_549, %get3A_550, %get3A_551] : memref<1x20x5xf32, #tpu.memory_space<smem>>
    %get3A_553 = arith.constant 0 : index
    %get3A_554 = arith.constant 7 : index
    %get3A_555 = arith.constant 1 : index
    %get3A_556 = memref.load %arg1[%get3A_553, %get3A_554, %get3A_555] : memref<1x20x5xf32, #tpu.memory_space<smem>>
    %get3A_557 = arith.constant 0 : index
    %get3A_558 = arith.constant 7 : index
    %get3A_559 = arith.constant 2 : index
    %get3A_560 = memref.load %arg1[%get3A_557, %get3A_558, %get3A_559] : memref<1x20x5xf32, #tpu.memory_space<smem>>
    %get3A_561 = arith.constant 0 : index
    %get3A_562 = arith.constant 7 : index
    %get3A_563 = arith.constant 3 : index
    %get3A_564 = memref.load %arg1[%get3A_561, %get3A_562, %get3A_563] : memref<1x20x5xf32, #tpu.memory_space<smem>>
    %get3A_565 = arith.constant 0 : index
    %get3A_566 = arith.constant 7 : index
    %get3A_567 = arith.constant 4 : index
    %get3A_568 = memref.load %arg1[%get3A_565, %get3A_566, %get3A_567] : memref<1x20x5xf32, #tpu.memory_space<smem>>
    %sub3A_569 = arith.subf %get3A_560, %get3A_552 : f32
    %add3A_570 = arith.constant 1.000000e+00 : f32
    %add3A_571 = arith.addf %sub3A_569, %add3A_570 : f32
    %sub3A_572 = arith.subf %get3A_564, %get3A_556 : f32
    %add3A_573 = arith.constant 1.000000e+00 : f32
    %add3A_574 = arith.addf %sub3A_572, %add3A_573 : f32
    %mul3A_575 = arith.mulf %add3A_571, %add3A_574 : f32
    %eq3A_576 = arith.constant 1.000000e+00 : f32
    %eq3A_577 = arith.cmpf oeq, %add3A_571, %eq3A_576 : f32
    %eq3A_578 = arith.constant 1.000000e+00 : f32
    %eq3A_579 = arith.cmpf oeq, %add3A_574, %eq3A_578 : f32
    %and3A_580 = arith.andi %eq3A_577, %eq3A_579 : i1
    %min3A_581 = vector.broadcast %get3A_560 : f32 to vector<160x128xf32>
    %min3A_582 = arith.minimumf %get3A_13, %min3A_581 : vector<160x128xf32>
    %max3A_583 = vector.broadcast %get3A_552 : f32 to vector<160x128xf32>
    %max3A_584 = arith.maximumf %get3A_3, %max3A_583 : vector<160x128xf32>
    %sub3A_585 = arith.subf %min3A_582, %max3A_584 : vector<160x128xf32>
    %add3A_586 = arith.constant 1.000000e+00 : f32
    %add3A_587 = vector.broadcast %add3A_586 : f32 to vector<160x128xf32>
    %add3A_588 = arith.addf %sub3A_585, %add3A_587 : vector<160x128xf32>
    %max3A_589 = arith.constant 0.000000e+00 : f32
    %max3A_590 = vector.broadcast %max3A_589 : f32 to vector<160x128xf32>
    %max3A_591 = arith.maximumf %add3A_588, %max3A_590 : vector<160x128xf32>
    %min3A_592 = vector.broadcast %get3A_564 : f32 to vector<160x128xf32>
    %min3A_593 = arith.minimumf %get3A_18, %min3A_592 : vector<160x128xf32>
    %max3A_594 = vector.broadcast %get3A_556 : f32 to vector<160x128xf32>
    %max3A_595 = arith.maximumf %get3A_8, %max3A_594 : vector<160x128xf32>
    %sub3A_596 = arith.subf %min3A_593, %max3A_595 : vector<160x128xf32>
    %add3A_597 = arith.constant 1.000000e+00 : f32
    %add3A_598 = vector.broadcast %add3A_597 : f32 to vector<160x128xf32>
    %add3A_599 = arith.addf %sub3A_596, %add3A_598 : vector<160x128xf32>
    %max3A_600 = arith.constant 0.000000e+00 : f32
    %max3A_601 = vector.broadcast %max3A_600 : f32 to vector<160x128xf32>
    %max3A_602 = arith.maximumf %add3A_599, %max3A_601 : vector<160x128xf32>
    %mul3A_603 = arith.mulf %max3A_591, %max3A_602 : vector<160x128xf32>
    %add3A_604 = vector.broadcast %mul3A_575 : f32 to vector<160x128xf32>
    %add3A_605 = arith.addf %mul3A, %add3A_604 : vector<160x128xf32>
    %sub3A_606 = arith.subf %add3A_605, %mul3A_603 : vector<160x128xf32>
    %div3A_607 = arith.divf %mul3A_603, %sub3A_606 : vector<160x128xf32>
    %jit3A_608 = arith.constant 0.000000e+00 : f32
    %broadcast_in_dim3A_609 = vector.broadcast %jit3A_608 : f32 to vector<160x128xf32>
    %select_n3A_610 = arith.select %and3A_580, %broadcast_in_dim3A_609, %div3A_607 : vector<160x128xf32>
    %gt3A_611 = arith.cmpf ogt, %select_n3A_610, %select_n3A_538 : vector<160x128xf32>
    %select_n3A_612 = arith.select %gt3A_611, %select_n3A_610, %select_n3A_538 : vector<160x128xi1>, vector<160x128xf32>
    %broadcast_in_dim3A_613 = vector.broadcast %get3A_568 : f32 to vector<160x128xf32>
    %select_n3A_614 = arith.select %gt3A_611, %broadcast_in_dim3A_613, %select_n3A_540 : vector<160x128xi1>, vector<160x128xf32>
    %broadcast_in_dim3A_615 = vector.broadcast %get3A_552 : f32 to vector<160x128xf32>
    %select_n3A_616 = arith.select %gt3A_611, %broadcast_in_dim3A_615, %select_n3A_542 : vector<160x128xi1>, vector<160x128xf32>
    %broadcast_in_dim3A_617 = vector.broadcast %get3A_556 : f32 to vector<160x128xf32>
    %select_n3A_618 = arith.select %gt3A_611, %broadcast_in_dim3A_617, %select_n3A_544 : vector<160x128xi1>, vector<160x128xf32>
    %broadcast_in_dim3A_619 = vector.broadcast %get3A_560 : f32 to vector<160x128xf32>
    %select_n3A_620 = arith.select %gt3A_611, %broadcast_in_dim3A_619, %select_n3A_546 : vector<160x128xi1>, vector<160x128xf32>
    %broadcast_in_dim3A_621 = vector.broadcast %get3A_564 : f32 to vector<160x128xf32>
    %select_n3A_622 = arith.select %gt3A_611, %broadcast_in_dim3A_621, %select_n3A_548 : vector<160x128xi1>, vector<160x128xf32>
    %get3A_623 = arith.constant 0 : index
    %get3A_624 = arith.constant 8 : index
    %get3A_625 = arith.constant 0 : index
    %get3A_626 = memref.load %arg1[%get3A_623, %get3A_624, %get3A_625] : memref<1x20x5xf32, #tpu.memory_space<smem>>
    %get3A_627 = arith.constant 0 : index
    %get3A_628 = arith.constant 8 : index
    %get3A_629 = arith.constant 1 : index
    %get3A_630 = memref.load %arg1[%get3A_627, %get3A_628, %get3A_629] : memref<1x20x5xf32, #tpu.memory_space<smem>>
    %get3A_631 = arith.constant 0 : index
    %get3A_632 = arith.constant 8 : index
    %get3A_633 = arith.constant 2 : index
    %get3A_634 = memref.load %arg1[%get3A_631, %get3A_632, %get3A_633] : memref<1x20x5xf32, #tpu.memory_space<smem>>
    %get3A_635 = arith.constant 0 : index
    %get3A_636 = arith.constant 8 : index
    %get3A_637 = arith.constant 3 : index
    %get3A_638 = memref.load %arg1[%get3A_635, %get3A_636, %get3A_637] : memref<1x20x5xf32, #tpu.memory_space<smem>>
    %get3A_639 = arith.constant 0 : index
    %get3A_640 = arith.constant 8 : index
    %get3A_641 = arith.constant 4 : index
    %get3A_642 = memref.load %arg1[%get3A_639, %get3A_640, %get3A_641] : memref<1x20x5xf32, #tpu.memory_space<smem>>
    %sub3A_643 = arith.subf %get3A_634, %get3A_626 : f32
    %add3A_644 = arith.constant 1.000000e+00 : f32
    %add3A_645 = arith.addf %sub3A_643, %add3A_644 : f32
    %sub3A_646 = arith.subf %get3A_638, %get3A_630 : f32
    %add3A_647 = arith.constant 1.000000e+00 : f32
    %add3A_648 = arith.addf %sub3A_646, %add3A_647 : f32
    %mul3A_649 = arith.mulf %add3A_645, %add3A_648 : f32
    %eq3A_650 = arith.constant 1.000000e+00 : f32
    %eq3A_651 = arith.cmpf oeq, %add3A_645, %eq3A_650 : f32
    %eq3A_652 = arith.constant 1.000000e+00 : f32
    %eq3A_653 = arith.cmpf oeq, %add3A_648, %eq3A_652 : f32
    %and3A_654 = arith.andi %eq3A_651, %eq3A_653 : i1
    %min3A_655 = vector.broadcast %get3A_634 : f32 to vector<160x128xf32>
    %min3A_656 = arith.minimumf %get3A_13, %min3A_655 : vector<160x128xf32>
    %max3A_657 = vector.broadcast %get3A_626 : f32 to vector<160x128xf32>
    %max3A_658 = arith.maximumf %get3A_3, %max3A_657 : vector<160x128xf32>
    %sub3A_659 = arith.subf %min3A_656, %max3A_658 : vector<160x128xf32>
    %add3A_660 = arith.constant 1.000000e+00 : f32
    %add3A_661 = vector.broadcast %add3A_660 : f32 to vector<160x128xf32>
    %add3A_662 = arith.addf %sub3A_659, %add3A_661 : vector<160x128xf32>
    %max3A_663 = arith.constant 0.000000e+00 : f32
    %max3A_664 = vector.broadcast %max3A_663 : f32 to vector<160x128xf32>
    %max3A_665 = arith.maximumf %add3A_662, %max3A_664 : vector<160x128xf32>
    %min3A_666 = vector.broadcast %get3A_638 : f32 to vector<160x128xf32>
    %min3A_667 = arith.minimumf %get3A_18, %min3A_666 : vector<160x128xf32>
    %max3A_668 = vector.broadcast %get3A_630 : f32 to vector<160x128xf32>
    %max3A_669 = arith.maximumf %get3A_8, %max3A_668 : vector<160x128xf32>
    %sub3A_670 = arith.subf %min3A_667, %max3A_669 : vector<160x128xf32>
    %add3A_671 = arith.constant 1.000000e+00 : f32
    %add3A_672 = vector.broadcast %add3A_671 : f32 to vector<160x128xf32>
    %add3A_673 = arith.addf %sub3A_670, %add3A_672 : vector<160x128xf32>
    %max3A_674 = arith.constant 0.000000e+00 : f32
    %max3A_675 = vector.broadcast %max3A_674 : f32 to vector<160x128xf32>
    %max3A_676 = arith.maximumf %add3A_673, %max3A_675 : vector<160x128xf32>
    %mul3A_677 = arith.mulf %max3A_665, %max3A_676 : vector<160x128xf32>
    %add3A_678 = vector.broadcast %mul3A_649 : f32 to vector<160x128xf32>
    %add3A_679 = arith.addf %mul3A, %add3A_678 : vector<160x128xf32>
    %sub3A_680 = arith.subf %add3A_679, %mul3A_677 : vector<160x128xf32>
    %div3A_681 = arith.divf %mul3A_677, %sub3A_680 : vector<160x128xf32>
    %jit3A_682 = arith.constant 0.000000e+00 : f32
    %broadcast_in_dim3A_683 = vector.broadcast %jit3A_682 : f32 to vector<160x128xf32>
    %select_n3A_684 = arith.select %and3A_654, %broadcast_in_dim3A_683, %div3A_681 : vector<160x128xf32>
    %gt3A_685 = arith.cmpf ogt, %select_n3A_684, %select_n3A_612 : vector<160x128xf32>
    %select_n3A_686 = arith.select %gt3A_685, %select_n3A_684, %select_n3A_612 : vector<160x128xi1>, vector<160x128xf32>
    %broadcast_in_dim3A_687 = vector.broadcast %get3A_642 : f32 to vector<160x128xf32>
    %select_n3A_688 = arith.select %gt3A_685, %broadcast_in_dim3A_687, %select_n3A_614 : vector<160x128xi1>, vector<160x128xf32>
    %broadcast_in_dim3A_689 = vector.broadcast %get3A_626 : f32 to vector<160x128xf32>
    %select_n3A_690 = arith.select %gt3A_685, %broadcast_in_dim3A_689, %select_n3A_616 : vector<160x128xi1>, vector<160x128xf32>
    %broadcast_in_dim3A_691 = vector.broadcast %get3A_630 : f32 to vector<160x128xf32>
    %select_n3A_692 = arith.select %gt3A_685, %broadcast_in_dim3A_691, %select_n3A_618 : vector<160x128xi1>, vector<160x128xf32>
    %broadcast_in_dim3A_693 = vector.broadcast %get3A_634 : f32 to vector<160x128xf32>
    %select_n3A_694 = arith.select %gt3A_685, %broadcast_in_dim3A_693, %select_n3A_620 : vector<160x128xi1>, vector<160x128xf32>
    %broadcast_in_dim3A_695 = vector.broadcast %get3A_638 : f32 to vector<160x128xf32>
    %select_n3A_696 = arith.select %gt3A_685, %broadcast_in_dim3A_695, %select_n3A_622 : vector<160x128xi1>, vector<160x128xf32>
    %get3A_697 = arith.constant 0 : index
    %get3A_698 = arith.constant 9 : index
    %get3A_699 = arith.constant 0 : index
    %get3A_700 = memref.load %arg1[%get3A_697, %get3A_698, %get3A_699] : memref<1x20x5xf32, #tpu.memory_space<smem>>
    %get3A_701 = arith.constant 0 : index
    %get3A_702 = arith.constant 9 : index
    %get3A_703 = arith.constant 1 : index
    %get3A_704 = memref.load %arg1[%get3A_701, %get3A_702, %get3A_703] : memref<1x20x5xf32, #tpu.memory_space<smem>>
    %get3A_705 = arith.constant 0 : index
    %get3A_706 = arith.constant 9 : index
    %get3A_707 = arith.constant 2 : index
    %get3A_708 = memref.load %arg1[%get3A_705, %get3A_706, %get3A_707] : memref<1x20x5xf32, #tpu.memory_space<smem>>
    %get3A_709 = arith.constant 0 : index
    %get3A_710 = arith.constant 9 : index
    %get3A_711 = arith.constant 3 : index
    %get3A_712 = memref.load %arg1[%get3A_709, %get3A_710, %get3A_711] : memref<1x20x5xf32, #tpu.memory_space<smem>>
    %get3A_713 = arith.constant 0 : index
    %get3A_714 = arith.constant 9 : index
    %get3A_715 = arith.constant 4 : index
    %get3A_716 = memref.load %arg1[%get3A_713, %get3A_714, %get3A_715] : memref<1x20x5xf32, #tpu.memory_space<smem>>
    %sub3A_717 = arith.subf %get3A_708, %get3A_700 : f32
    %add3A_718 = arith.constant 1.000000e+00 : f32
    %add3A_719 = arith.addf %sub3A_717, %add3A_718 : f32
    %sub3A_720 = arith.subf %get3A_712, %get3A_704 : f32
    %add3A_721 = arith.constant 1.000000e+00 : f32
    %add3A_722 = arith.addf %sub3A_720, %add3A_721 : f32
    %mul3A_723 = arith.mulf %add3A_719, %add3A_722 : f32
    %eq3A_724 = arith.constant 1.000000e+00 : f32
    %eq3A_725 = arith.cmpf oeq, %add3A_719, %eq3A_724 : f32
    %eq3A_726 = arith.constant 1.000000e+00 : f32
    %eq3A_727 = arith.cmpf oeq, %add3A_722, %eq3A_726 : f32
    %and3A_728 = arith.andi %eq3A_725, %eq3A_727 : i1
    %min3A_729 = vector.broadcast %get3A_708 : f32 to vector<160x128xf32>
    %min3A_730 = arith.minimumf %get3A_13, %min3A_729 : vector<160x128xf32>
    %max3A_731 = vector.broadcast %get3A_700 : f32 to vector<160x128xf32>
    %max3A_732 = arith.maximumf %get3A_3, %max3A_731 : vector<160x128xf32>
    %sub3A_733 = arith.subf %min3A_730, %max3A_732 : vector<160x128xf32>
    %add3A_734 = arith.constant 1.000000e+00 : f32
    %add3A_735 = vector.broadcast %add3A_734 : f32 to vector<160x128xf32>
    %add3A_736 = arith.addf %sub3A_733, %add3A_735 : vector<160x128xf32>
    %max3A_737 = arith.constant 0.000000e+00 : f32
    %max3A_738 = vector.broadcast %max3A_737 : f32 to vector<160x128xf32>
    %max3A_739 = arith.maximumf %add3A_736, %max3A_738 : vector<160x128xf32>
    %min3A_740 = vector.broadcast %get3A_712 : f32 to vector<160x128xf32>
    %min3A_741 = arith.minimumf %get3A_18, %min3A_740 : vector<160x128xf32>
    %max3A_742 = vector.broadcast %get3A_704 : f32 to vector<160x128xf32>
    %max3A_743 = arith.maximumf %get3A_8, %max3A_742 : vector<160x128xf32>
    %sub3A_744 = arith.subf %min3A_741, %max3A_743 : vector<160x128xf32>
    %add3A_745 = arith.constant 1.000000e+00 : f32
    %add3A_746 = vector.broadcast %add3A_745 : f32 to vector<160x128xf32>
    %add3A_747 = arith.addf %sub3A_744, %add3A_746 : vector<160x128xf32>
    %max3A_748 = arith.constant 0.000000e+00 : f32
    %max3A_749 = vector.broadcast %max3A_748 : f32 to vector<160x128xf32>
    %max3A_750 = arith.maximumf %add3A_747, %max3A_749 : vector<160x128xf32>
    %mul3A_751 = arith.mulf %max3A_739, %max3A_750 : vector<160x128xf32>
    %add3A_752 = vector.broadcast %mul3A_723 : f32 to vector<160x128xf32>
    %add3A_753 = arith.addf %mul3A, %add3A_752 : vector<160x128xf32>
    %sub3A_754 = arith.subf %add3A_753, %mul3A_751 : vector<160x128xf32>
    %div3A_755 = arith.divf %mul3A_751, %sub3A_754 : vector<160x128xf32>
    %jit3A_756 = arith.constant 0.000000e+00 : f32
    %broadcast_in_dim3A_757 = vector.broadcast %jit3A_756 : f32 to vector<160x128xf32>
    %select_n3A_758 = arith.select %and3A_728, %broadcast_in_dim3A_757, %div3A_755 : vector<160x128xf32>
    %gt3A_759 = arith.cmpf ogt, %select_n3A_758, %select_n3A_686 : vector<160x128xf32>
    %select_n3A_760 = arith.select %gt3A_759, %select_n3A_758, %select_n3A_686 : vector<160x128xi1>, vector<160x128xf32>
    %broadcast_in_dim3A_761 = vector.broadcast %get3A_716 : f32 to vector<160x128xf32>
    %select_n3A_762 = arith.select %gt3A_759, %broadcast_in_dim3A_761, %select_n3A_688 : vector<160x128xi1>, vector<160x128xf32>
    %broadcast_in_dim3A_763 = vector.broadcast %get3A_700 : f32 to vector<160x128xf32>
    %select_n3A_764 = arith.select %gt3A_759, %broadcast_in_dim3A_763, %select_n3A_690 : vector<160x128xi1>, vector<160x128xf32>
    %broadcast_in_dim3A_765 = vector.broadcast %get3A_704 : f32 to vector<160x128xf32>
    %select_n3A_766 = arith.select %gt3A_759, %broadcast_in_dim3A_765, %select_n3A_692 : vector<160x128xi1>, vector<160x128xf32>
    %broadcast_in_dim3A_767 = vector.broadcast %get3A_708 : f32 to vector<160x128xf32>
    %select_n3A_768 = arith.select %gt3A_759, %broadcast_in_dim3A_767, %select_n3A_694 : vector<160x128xi1>, vector<160x128xf32>
    %broadcast_in_dim3A_769 = vector.broadcast %get3A_712 : f32 to vector<160x128xf32>
    %select_n3A_770 = arith.select %gt3A_759, %broadcast_in_dim3A_769, %select_n3A_696 : vector<160x128xi1>, vector<160x128xf32>
    %get3A_771 = arith.constant 0 : index
    %get3A_772 = arith.constant 10 : index
    %get3A_773 = arith.constant 0 : index
    %get3A_774 = memref.load %arg1[%get3A_771, %get3A_772, %get3A_773] : memref<1x20x5xf32, #tpu.memory_space<smem>>
    %get3A_775 = arith.constant 0 : index
    %get3A_776 = arith.constant 10 : index
    %get3A_777 = arith.constant 1 : index
    %get3A_778 = memref.load %arg1[%get3A_775, %get3A_776, %get3A_777] : memref<1x20x5xf32, #tpu.memory_space<smem>>
    %get3A_779 = arith.constant 0 : index
    %get3A_780 = arith.constant 10 : index
    %get3A_781 = arith.constant 2 : index
    %get3A_782 = memref.load %arg1[%get3A_779, %get3A_780, %get3A_781] : memref<1x20x5xf32, #tpu.memory_space<smem>>
    %get3A_783 = arith.constant 0 : index
    %get3A_784 = arith.constant 10 : index
    %get3A_785 = arith.constant 3 : index
    %get3A_786 = memref.load %arg1[%get3A_783, %get3A_784, %get3A_785] : memref<1x20x5xf32, #tpu.memory_space<smem>>
    %get3A_787 = arith.constant 0 : index
    %get3A_788 = arith.constant 10 : index
    %get3A_789 = arith.constant 4 : index
    %get3A_790 = memref.load %arg1[%get3A_787, %get3A_788, %get3A_789] : memref<1x20x5xf32, #tpu.memory_space<smem>>
    %sub3A_791 = arith.subf %get3A_782, %get3A_774 : f32
    %add3A_792 = arith.constant 1.000000e+00 : f32
    %add3A_793 = arith.addf %sub3A_791, %add3A_792 : f32
    %sub3A_794 = arith.subf %get3A_786, %get3A_778 : f32
    %add3A_795 = arith.constant 1.000000e+00 : f32
    %add3A_796 = arith.addf %sub3A_794, %add3A_795 : f32
    %mul3A_797 = arith.mulf %add3A_793, %add3A_796 : f32
    %eq3A_798 = arith.constant 1.000000e+00 : f32
    %eq3A_799 = arith.cmpf oeq, %add3A_793, %eq3A_798 : f32
    %eq3A_800 = arith.constant 1.000000e+00 : f32
    %eq3A_801 = arith.cmpf oeq, %add3A_796, %eq3A_800 : f32
    %and3A_802 = arith.andi %eq3A_799, %eq3A_801 : i1
    %min3A_803 = vector.broadcast %get3A_782 : f32 to vector<160x128xf32>
    %min3A_804 = arith.minimumf %get3A_13, %min3A_803 : vector<160x128xf32>
    %max3A_805 = vector.broadcast %get3A_774 : f32 to vector<160x128xf32>
    %max3A_806 = arith.maximumf %get3A_3, %max3A_805 : vector<160x128xf32>
    %sub3A_807 = arith.subf %min3A_804, %max3A_806 : vector<160x128xf32>
    %add3A_808 = arith.constant 1.000000e+00 : f32
    %add3A_809 = vector.broadcast %add3A_808 : f32 to vector<160x128xf32>
    %add3A_810 = arith.addf %sub3A_807, %add3A_809 : vector<160x128xf32>
    %max3A_811 = arith.constant 0.000000e+00 : f32
    %max3A_812 = vector.broadcast %max3A_811 : f32 to vector<160x128xf32>
    %max3A_813 = arith.maximumf %add3A_810, %max3A_812 : vector<160x128xf32>
    %min3A_814 = vector.broadcast %get3A_786 : f32 to vector<160x128xf32>
    %min3A_815 = arith.minimumf %get3A_18, %min3A_814 : vector<160x128xf32>
    %max3A_816 = vector.broadcast %get3A_778 : f32 to vector<160x128xf32>
    %max3A_817 = arith.maximumf %get3A_8, %max3A_816 : vector<160x128xf32>
    %sub3A_818 = arith.subf %min3A_815, %max3A_817 : vector<160x128xf32>
    %add3A_819 = arith.constant 1.000000e+00 : f32
    %add3A_820 = vector.broadcast %add3A_819 : f32 to vector<160x128xf32>
    %add3A_821 = arith.addf %sub3A_818, %add3A_820 : vector<160x128xf32>
    %max3A_822 = arith.constant 0.000000e+00 : f32
    %max3A_823 = vector.broadcast %max3A_822 : f32 to vector<160x128xf32>
    %max3A_824 = arith.maximumf %add3A_821, %max3A_823 : vector<160x128xf32>
    %mul3A_825 = arith.mulf %max3A_813, %max3A_824 : vector<160x128xf32>
    %add3A_826 = vector.broadcast %mul3A_797 : f32 to vector<160x128xf32>
    %add3A_827 = arith.addf %mul3A, %add3A_826 : vector<160x128xf32>
    %sub3A_828 = arith.subf %add3A_827, %mul3A_825 : vector<160x128xf32>
    %div3A_829 = arith.divf %mul3A_825, %sub3A_828 : vector<160x128xf32>
    %jit3A_830 = arith.constant 0.000000e+00 : f32
    %broadcast_in_dim3A_831 = vector.broadcast %jit3A_830 : f32 to vector<160x128xf32>
    %select_n3A_832 = arith.select %and3A_802, %broadcast_in_dim3A_831, %div3A_829 : vector<160x128xf32>
    %gt3A_833 = arith.cmpf ogt, %select_n3A_832, %select_n3A_760 : vector<160x128xf32>
    %select_n3A_834 = arith.select %gt3A_833, %select_n3A_832, %select_n3A_760 : vector<160x128xi1>, vector<160x128xf32>
    %broadcast_in_dim3A_835 = vector.broadcast %get3A_790 : f32 to vector<160x128xf32>
    %select_n3A_836 = arith.select %gt3A_833, %broadcast_in_dim3A_835, %select_n3A_762 : vector<160x128xi1>, vector<160x128xf32>
    %broadcast_in_dim3A_837 = vector.broadcast %get3A_774 : f32 to vector<160x128xf32>
    %select_n3A_838 = arith.select %gt3A_833, %broadcast_in_dim3A_837, %select_n3A_764 : vector<160x128xi1>, vector<160x128xf32>
    %broadcast_in_dim3A_839 = vector.broadcast %get3A_778 : f32 to vector<160x128xf32>
    %select_n3A_840 = arith.select %gt3A_833, %broadcast_in_dim3A_839, %select_n3A_766 : vector<160x128xi1>, vector<160x128xf32>
    %broadcast_in_dim3A_841 = vector.broadcast %get3A_782 : f32 to vector<160x128xf32>
    %select_n3A_842 = arith.select %gt3A_833, %broadcast_in_dim3A_841, %select_n3A_768 : vector<160x128xi1>, vector<160x128xf32>
    %broadcast_in_dim3A_843 = vector.broadcast %get3A_786 : f32 to vector<160x128xf32>
    %select_n3A_844 = arith.select %gt3A_833, %broadcast_in_dim3A_843, %select_n3A_770 : vector<160x128xi1>, vector<160x128xf32>
    %get3A_845 = arith.constant 0 : index
    %get3A_846 = arith.constant 11 : index
    %get3A_847 = arith.constant 0 : index
    %get3A_848 = memref.load %arg1[%get3A_845, %get3A_846, %get3A_847] : memref<1x20x5xf32, #tpu.memory_space<smem>>
    %get3A_849 = arith.constant 0 : index
    %get3A_850 = arith.constant 11 : index
    %get3A_851 = arith.constant 1 : index
    %get3A_852 = memref.load %arg1[%get3A_849, %get3A_850, %get3A_851] : memref<1x20x5xf32, #tpu.memory_space<smem>>
    %get3A_853 = arith.constant 0 : index
    %get3A_854 = arith.constant 11 : index
    %get3A_855 = arith.constant 2 : index
    %get3A_856 = memref.load %arg1[%get3A_853, %get3A_854, %get3A_855] : memref<1x20x5xf32, #tpu.memory_space<smem>>
    %get3A_857 = arith.constant 0 : index
    %get3A_858 = arith.constant 11 : index
    %get3A_859 = arith.constant 3 : index
    %get3A_860 = memref.load %arg1[%get3A_857, %get3A_858, %get3A_859] : memref<1x20x5xf32, #tpu.memory_space<smem>>
    %get3A_861 = arith.constant 0 : index
    %get3A_862 = arith.constant 11 : index
    %get3A_863 = arith.constant 4 : index
    %get3A_864 = memref.load %arg1[%get3A_861, %get3A_862, %get3A_863] : memref<1x20x5xf32, #tpu.memory_space<smem>>
    %sub3A_865 = arith.subf %get3A_856, %get3A_848 : f32
    %add3A_866 = arith.constant 1.000000e+00 : f32
    %add3A_867 = arith.addf %sub3A_865, %add3A_866 : f32
    %sub3A_868 = arith.subf %get3A_860, %get3A_852 : f32
    %add3A_869 = arith.constant 1.000000e+00 : f32
    %add3A_870 = arith.addf %sub3A_868, %add3A_869 : f32
    %mul3A_871 = arith.mulf %add3A_867, %add3A_870 : f32
    %eq3A_872 = arith.constant 1.000000e+00 : f32
    %eq3A_873 = arith.cmpf oeq, %add3A_867, %eq3A_872 : f32
    %eq3A_874 = arith.constant 1.000000e+00 : f32
    %eq3A_875 = arith.cmpf oeq, %add3A_870, %eq3A_874 : f32
    %and3A_876 = arith.andi %eq3A_873, %eq3A_875 : i1
    %min3A_877 = vector.broadcast %get3A_856 : f32 to vector<160x128xf32>
    %min3A_878 = arith.minimumf %get3A_13, %min3A_877 : vector<160x128xf32>
    %max3A_879 = vector.broadcast %get3A_848 : f32 to vector<160x128xf32>
    %max3A_880 = arith.maximumf %get3A_3, %max3A_879 : vector<160x128xf32>
    %sub3A_881 = arith.subf %min3A_878, %max3A_880 : vector<160x128xf32>
    %add3A_882 = arith.constant 1.000000e+00 : f32
    %add3A_883 = vector.broadcast %add3A_882 : f32 to vector<160x128xf32>
    %add3A_884 = arith.addf %sub3A_881, %add3A_883 : vector<160x128xf32>
    %max3A_885 = arith.constant 0.000000e+00 : f32
    %max3A_886 = vector.broadcast %max3A_885 : f32 to vector<160x128xf32>
    %max3A_887 = arith.maximumf %add3A_884, %max3A_886 : vector<160x128xf32>
    %min3A_888 = vector.broadcast %get3A_860 : f32 to vector<160x128xf32>
    %min3A_889 = arith.minimumf %get3A_18, %min3A_888 : vector<160x128xf32>
    %max3A_890 = vector.broadcast %get3A_852 : f32 to vector<160x128xf32>
    %max3A_891 = arith.maximumf %get3A_8, %max3A_890 : vector<160x128xf32>
    %sub3A_892 = arith.subf %min3A_889, %max3A_891 : vector<160x128xf32>
    %add3A_893 = arith.constant 1.000000e+00 : f32
    %add3A_894 = vector.broadcast %add3A_893 : f32 to vector<160x128xf32>
    %add3A_895 = arith.addf %sub3A_892, %add3A_894 : vector<160x128xf32>
    %max3A_896 = arith.constant 0.000000e+00 : f32
    %max3A_897 = vector.broadcast %max3A_896 : f32 to vector<160x128xf32>
    %max3A_898 = arith.maximumf %add3A_895, %max3A_897 : vector<160x128xf32>
    %mul3A_899 = arith.mulf %max3A_887, %max3A_898 : vector<160x128xf32>
    %add3A_900 = vector.broadcast %mul3A_871 : f32 to vector<160x128xf32>
    %add3A_901 = arith.addf %mul3A, %add3A_900 : vector<160x128xf32>
    %sub3A_902 = arith.subf %add3A_901, %mul3A_899 : vector<160x128xf32>
    %div3A_903 = arith.divf %mul3A_899, %sub3A_902 : vector<160x128xf32>
    %jit3A_904 = arith.constant 0.000000e+00 : f32
    %broadcast_in_dim3A_905 = vector.broadcast %jit3A_904 : f32 to vector<160x128xf32>
    %select_n3A_906 = arith.select %and3A_876, %broadcast_in_dim3A_905, %div3A_903 : vector<160x128xf32>
    %gt3A_907 = arith.cmpf ogt, %select_n3A_906, %select_n3A_834 : vector<160x128xf32>
    %select_n3A_908 = arith.select %gt3A_907, %select_n3A_906, %select_n3A_834 : vector<160x128xi1>, vector<160x128xf32>
    %broadcast_in_dim3A_909 = vector.broadcast %get3A_864 : f32 to vector<160x128xf32>
    %select_n3A_910 = arith.select %gt3A_907, %broadcast_in_dim3A_909, %select_n3A_836 : vector<160x128xi1>, vector<160x128xf32>
    %broadcast_in_dim3A_911 = vector.broadcast %get3A_848 : f32 to vector<160x128xf32>
    %select_n3A_912 = arith.select %gt3A_907, %broadcast_in_dim3A_911, %select_n3A_838 : vector<160x128xi1>, vector<160x128xf32>
    %broadcast_in_dim3A_913 = vector.broadcast %get3A_852 : f32 to vector<160x128xf32>
    %select_n3A_914 = arith.select %gt3A_907, %broadcast_in_dim3A_913, %select_n3A_840 : vector<160x128xi1>, vector<160x128xf32>
    %broadcast_in_dim3A_915 = vector.broadcast %get3A_856 : f32 to vector<160x128xf32>
    %select_n3A_916 = arith.select %gt3A_907, %broadcast_in_dim3A_915, %select_n3A_842 : vector<160x128xi1>, vector<160x128xf32>
    %broadcast_in_dim3A_917 = vector.broadcast %get3A_860 : f32 to vector<160x128xf32>
    %select_n3A_918 = arith.select %gt3A_907, %broadcast_in_dim3A_917, %select_n3A_844 : vector<160x128xi1>, vector<160x128xf32>
    %get3A_919 = arith.constant 0 : index
    %get3A_920 = arith.constant 12 : index
    %get3A_921 = arith.constant 0 : index
    %get3A_922 = memref.load %arg1[%get3A_919, %get3A_920, %get3A_921] : memref<1x20x5xf32, #tpu.memory_space<smem>>
    %get3A_923 = arith.constant 0 : index
    %get3A_924 = arith.constant 12 : index
    %get3A_925 = arith.constant 1 : index
    %get3A_926 = memref.load %arg1[%get3A_923, %get3A_924, %get3A_925] : memref<1x20x5xf32, #tpu.memory_space<smem>>
    %get3A_927 = arith.constant 0 : index
    %get3A_928 = arith.constant 12 : index
    %get3A_929 = arith.constant 2 : index
    %get3A_930 = memref.load %arg1[%get3A_927, %get3A_928, %get3A_929] : memref<1x20x5xf32, #tpu.memory_space<smem>>
    %get3A_931 = arith.constant 0 : index
    %get3A_932 = arith.constant 12 : index
    %get3A_933 = arith.constant 3 : index
    %get3A_934 = memref.load %arg1[%get3A_931, %get3A_932, %get3A_933] : memref<1x20x5xf32, #tpu.memory_space<smem>>
    %get3A_935 = arith.constant 0 : index
    %get3A_936 = arith.constant 12 : index
    %get3A_937 = arith.constant 4 : index
    %get3A_938 = memref.load %arg1[%get3A_935, %get3A_936, %get3A_937] : memref<1x20x5xf32, #tpu.memory_space<smem>>
    %sub3A_939 = arith.subf %get3A_930, %get3A_922 : f32
    %add3A_940 = arith.constant 1.000000e+00 : f32
    %add3A_941 = arith.addf %sub3A_939, %add3A_940 : f32
    %sub3A_942 = arith.subf %get3A_934, %get3A_926 : f32
    %add3A_943 = arith.constant 1.000000e+00 : f32
    %add3A_944 = arith.addf %sub3A_942, %add3A_943 : f32
    %mul3A_945 = arith.mulf %add3A_941, %add3A_944 : f32
    %eq3A_946 = arith.constant 1.000000e+00 : f32
    %eq3A_947 = arith.cmpf oeq, %add3A_941, %eq3A_946 : f32
    %eq3A_948 = arith.constant 1.000000e+00 : f32
    %eq3A_949 = arith.cmpf oeq, %add3A_944, %eq3A_948 : f32
    %and3A_950 = arith.andi %eq3A_947, %eq3A_949 : i1
    %min3A_951 = vector.broadcast %get3A_930 : f32 to vector<160x128xf32>
    %min3A_952 = arith.minimumf %get3A_13, %min3A_951 : vector<160x128xf32>
    %max3A_953 = vector.broadcast %get3A_922 : f32 to vector<160x128xf32>
    %max3A_954 = arith.maximumf %get3A_3, %max3A_953 : vector<160x128xf32>
    %sub3A_955 = arith.subf %min3A_952, %max3A_954 : vector<160x128xf32>
    %add3A_956 = arith.constant 1.000000e+00 : f32
    %add3A_957 = vector.broadcast %add3A_956 : f32 to vector<160x128xf32>
    %add3A_958 = arith.addf %sub3A_955, %add3A_957 : vector<160x128xf32>
    %max3A_959 = arith.constant 0.000000e+00 : f32
    %max3A_960 = vector.broadcast %max3A_959 : f32 to vector<160x128xf32>
    %max3A_961 = arith.maximumf %add3A_958, %max3A_960 : vector<160x128xf32>
    %min3A_962 = vector.broadcast %get3A_934 : f32 to vector<160x128xf32>
    %min3A_963 = arith.minimumf %get3A_18, %min3A_962 : vector<160x128xf32>
    %max3A_964 = vector.broadcast %get3A_926 : f32 to vector<160x128xf32>
    %max3A_965 = arith.maximumf %get3A_8, %max3A_964 : vector<160x128xf32>
    %sub3A_966 = arith.subf %min3A_963, %max3A_965 : vector<160x128xf32>
    %add3A_967 = arith.constant 1.000000e+00 : f32
    %add3A_968 = vector.broadcast %add3A_967 : f32 to vector<160x128xf32>
    %add3A_969 = arith.addf %sub3A_966, %add3A_968 : vector<160x128xf32>
    %max3A_970 = arith.constant 0.000000e+00 : f32
    %max3A_971 = vector.broadcast %max3A_970 : f32 to vector<160x128xf32>
    %max3A_972 = arith.maximumf %add3A_969, %max3A_971 : vector<160x128xf32>
    %mul3A_973 = arith.mulf %max3A_961, %max3A_972 : vector<160x128xf32>
    %add3A_974 = vector.broadcast %mul3A_945 : f32 to vector<160x128xf32>
    %add3A_975 = arith.addf %mul3A, %add3A_974 : vector<160x128xf32>
    %sub3A_976 = arith.subf %add3A_975, %mul3A_973 : vector<160x128xf32>
    %div3A_977 = arith.divf %mul3A_973, %sub3A_976 : vector<160x128xf32>
    %jit3A_978 = arith.constant 0.000000e+00 : f32
    %broadcast_in_dim3A_979 = vector.broadcast %jit3A_978 : f32 to vector<160x128xf32>
    %select_n3A_980 = arith.select %and3A_950, %broadcast_in_dim3A_979, %div3A_977 : vector<160x128xf32>
    %gt3A_981 = arith.cmpf ogt, %select_n3A_980, %select_n3A_908 : vector<160x128xf32>
    %select_n3A_982 = arith.select %gt3A_981, %select_n3A_980, %select_n3A_908 : vector<160x128xi1>, vector<160x128xf32>
    %broadcast_in_dim3A_983 = vector.broadcast %get3A_938 : f32 to vector<160x128xf32>
    %select_n3A_984 = arith.select %gt3A_981, %broadcast_in_dim3A_983, %select_n3A_910 : vector<160x128xi1>, vector<160x128xf32>
    %broadcast_in_dim3A_985 = vector.broadcast %get3A_922 : f32 to vector<160x128xf32>
    %select_n3A_986 = arith.select %gt3A_981, %broadcast_in_dim3A_985, %select_n3A_912 : vector<160x128xi1>, vector<160x128xf32>
    %broadcast_in_dim3A_987 = vector.broadcast %get3A_926 : f32 to vector<160x128xf32>
    %select_n3A_988 = arith.select %gt3A_981, %broadcast_in_dim3A_987, %select_n3A_914 : vector<160x128xi1>, vector<160x128xf32>
    %broadcast_in_dim3A_989 = vector.broadcast %get3A_930 : f32 to vector<160x128xf32>
    %select_n3A_990 = arith.select %gt3A_981, %broadcast_in_dim3A_989, %select_n3A_916 : vector<160x128xi1>, vector<160x128xf32>
    %broadcast_in_dim3A_991 = vector.broadcast %get3A_934 : f32 to vector<160x128xf32>
    %select_n3A_992 = arith.select %gt3A_981, %broadcast_in_dim3A_991, %select_n3A_918 : vector<160x128xi1>, vector<160x128xf32>
    %get3A_993 = arith.constant 0 : index
    %get3A_994 = arith.constant 13 : index
    %get3A_995 = arith.constant 0 : index
    %get3A_996 = memref.load %arg1[%get3A_993, %get3A_994, %get3A_995] : memref<1x20x5xf32, #tpu.memory_space<smem>>
    %get3A_997 = arith.constant 0 : index
    %get3A_998 = arith.constant 13 : index
    %get3A_999 = arith.constant 1 : index
    %get3A_1000 = memref.load %arg1[%get3A_997, %get3A_998, %get3A_999] : memref<1x20x5xf32, #tpu.memory_space<smem>>
    %get3A_1001 = arith.constant 0 : index
    %get3A_1002 = arith.constant 13 : index
    %get3A_1003 = arith.constant 2 : index
    %get3A_1004 = memref.load %arg1[%get3A_1001, %get3A_1002, %get3A_1003] : memref<1x20x5xf32, #tpu.memory_space<smem>>
    %get3A_1005 = arith.constant 0 : index
    %get3A_1006 = arith.constant 13 : index
    %get3A_1007 = arith.constant 3 : index
    %get3A_1008 = memref.load %arg1[%get3A_1005, %get3A_1006, %get3A_1007] : memref<1x20x5xf32, #tpu.memory_space<smem>>
    %get3A_1009 = arith.constant 0 : index
    %get3A_1010 = arith.constant 13 : index
    %get3A_1011 = arith.constant 4 : index
    %get3A_1012 = memref.load %arg1[%get3A_1009, %get3A_1010, %get3A_1011] : memref<1x20x5xf32, #tpu.memory_space<smem>>
    %sub3A_1013 = arith.subf %get3A_1004, %get3A_996 : f32
    %add3A_1014 = arith.constant 1.000000e+00 : f32
    %add3A_1015 = arith.addf %sub3A_1013, %add3A_1014 : f32
    %sub3A_1016 = arith.subf %get3A_1008, %get3A_1000 : f32
    %add3A_1017 = arith.constant 1.000000e+00 : f32
    %add3A_1018 = arith.addf %sub3A_1016, %add3A_1017 : f32
    %mul3A_1019 = arith.mulf %add3A_1015, %add3A_1018 : f32
    %eq3A_1020 = arith.constant 1.000000e+00 : f32
    %eq3A_1021 = arith.cmpf oeq, %add3A_1015, %eq3A_1020 : f32
    %eq3A_1022 = arith.constant 1.000000e+00 : f32
    %eq3A_1023 = arith.cmpf oeq, %add3A_1018, %eq3A_1022 : f32
    %and3A_1024 = arith.andi %eq3A_1021, %eq3A_1023 : i1
    %min3A_1025 = vector.broadcast %get3A_1004 : f32 to vector<160x128xf32>
    %min3A_1026 = arith.minimumf %get3A_13, %min3A_1025 : vector<160x128xf32>
    %max3A_1027 = vector.broadcast %get3A_996 : f32 to vector<160x128xf32>
    %max3A_1028 = arith.maximumf %get3A_3, %max3A_1027 : vector<160x128xf32>
    %sub3A_1029 = arith.subf %min3A_1026, %max3A_1028 : vector<160x128xf32>
    %add3A_1030 = arith.constant 1.000000e+00 : f32
    %add3A_1031 = vector.broadcast %add3A_1030 : f32 to vector<160x128xf32>
    %add3A_1032 = arith.addf %sub3A_1029, %add3A_1031 : vector<160x128xf32>
    %max3A_1033 = arith.constant 0.000000e+00 : f32
    %max3A_1034 = vector.broadcast %max3A_1033 : f32 to vector<160x128xf32>
    %max3A_1035 = arith.maximumf %add3A_1032, %max3A_1034 : vector<160x128xf32>
    %min3A_1036 = vector.broadcast %get3A_1008 : f32 to vector<160x128xf32>
    %min3A_1037 = arith.minimumf %get3A_18, %min3A_1036 : vector<160x128xf32>
    %max3A_1038 = vector.broadcast %get3A_1000 : f32 to vector<160x128xf32>
    %max3A_1039 = arith.maximumf %get3A_8, %max3A_1038 : vector<160x128xf32>
    %sub3A_1040 = arith.subf %min3A_1037, %max3A_1039 : vector<160x128xf32>
    %add3A_1041 = arith.constant 1.000000e+00 : f32
    %add3A_1042 = vector.broadcast %add3A_1041 : f32 to vector<160x128xf32>
    %add3A_1043 = arith.addf %sub3A_1040, %add3A_1042 : vector<160x128xf32>
    %max3A_1044 = arith.constant 0.000000e+00 : f32
    %max3A_1045 = vector.broadcast %max3A_1044 : f32 to vector<160x128xf32>
    %max3A_1046 = arith.maximumf %add3A_1043, %max3A_1045 : vector<160x128xf32>
    %mul3A_1047 = arith.mulf %max3A_1035, %max3A_1046 : vector<160x128xf32>
    %add3A_1048 = vector.broadcast %mul3A_1019 : f32 to vector<160x128xf32>
    %add3A_1049 = arith.addf %mul3A, %add3A_1048 : vector<160x128xf32>
    %sub3A_1050 = arith.subf %add3A_1049, %mul3A_1047 : vector<160x128xf32>
    %div3A_1051 = arith.divf %mul3A_1047, %sub3A_1050 : vector<160x128xf32>
    %jit3A_1052 = arith.constant 0.000000e+00 : f32
    %broadcast_in_dim3A_1053 = vector.broadcast %jit3A_1052 : f32 to vector<160x128xf32>
    %select_n3A_1054 = arith.select %and3A_1024, %broadcast_in_dim3A_1053, %div3A_1051 : vector<160x128xf32>
    %gt3A_1055 = arith.cmpf ogt, %select_n3A_1054, %select_n3A_982 : vector<160x128xf32>
    %select_n3A_1056 = arith.select %gt3A_1055, %select_n3A_1054, %select_n3A_982 : vector<160x128xi1>, vector<160x128xf32>
    %broadcast_in_dim3A_1057 = vector.broadcast %get3A_1012 : f32 to vector<160x128xf32>
    %select_n3A_1058 = arith.select %gt3A_1055, %broadcast_in_dim3A_1057, %select_n3A_984 : vector<160x128xi1>, vector<160x128xf32>
    %broadcast_in_dim3A_1059 = vector.broadcast %get3A_996 : f32 to vector<160x128xf32>
    %select_n3A_1060 = arith.select %gt3A_1055, %broadcast_in_dim3A_1059, %select_n3A_986 : vector<160x128xi1>, vector<160x128xf32>
    %broadcast_in_dim3A_1061 = vector.broadcast %get3A_1000 : f32 to vector<160x128xf32>
    %select_n3A_1062 = arith.select %gt3A_1055, %broadcast_in_dim3A_1061, %select_n3A_988 : vector<160x128xi1>, vector<160x128xf32>
    %broadcast_in_dim3A_1063 = vector.broadcast %get3A_1004 : f32 to vector<160x128xf32>
    %select_n3A_1064 = arith.select %gt3A_1055, %broadcast_in_dim3A_1063, %select_n3A_990 : vector<160x128xi1>, vector<160x128xf32>
    %broadcast_in_dim3A_1065 = vector.broadcast %get3A_1008 : f32 to vector<160x128xf32>
    %select_n3A_1066 = arith.select %gt3A_1055, %broadcast_in_dim3A_1065, %select_n3A_992 : vector<160x128xi1>, vector<160x128xf32>
    %get3A_1067 = arith.constant 0 : index
    %get3A_1068 = arith.constant 14 : index
    %get3A_1069 = arith.constant 0 : index
    %get3A_1070 = memref.load %arg1[%get3A_1067, %get3A_1068, %get3A_1069] : memref<1x20x5xf32, #tpu.memory_space<smem>>
    %get3A_1071 = arith.constant 0 : index
    %get3A_1072 = arith.constant 14 : index
    %get3A_1073 = arith.constant 1 : index
    %get3A_1074 = memref.load %arg1[%get3A_1071, %get3A_1072, %get3A_1073] : memref<1x20x5xf32, #tpu.memory_space<smem>>
    %get3A_1075 = arith.constant 0 : index
    %get3A_1076 = arith.constant 14 : index
    %get3A_1077 = arith.constant 2 : index
    %get3A_1078 = memref.load %arg1[%get3A_1075, %get3A_1076, %get3A_1077] : memref<1x20x5xf32, #tpu.memory_space<smem>>
    %get3A_1079 = arith.constant 0 : index
    %get3A_1080 = arith.constant 14 : index
    %get3A_1081 = arith.constant 3 : index
    %get3A_1082 = memref.load %arg1[%get3A_1079, %get3A_1080, %get3A_1081] : memref<1x20x5xf32, #tpu.memory_space<smem>>
    %get3A_1083 = arith.constant 0 : index
    %get3A_1084 = arith.constant 14 : index
    %get3A_1085 = arith.constant 4 : index
    %get3A_1086 = memref.load %arg1[%get3A_1083, %get3A_1084, %get3A_1085] : memref<1x20x5xf32, #tpu.memory_space<smem>>
    %sub3A_1087 = arith.subf %get3A_1078, %get3A_1070 : f32
    %add3A_1088 = arith.constant 1.000000e+00 : f32
    %add3A_1089 = arith.addf %sub3A_1087, %add3A_1088 : f32
    %sub3A_1090 = arith.subf %get3A_1082, %get3A_1074 : f32
    %add3A_1091 = arith.constant 1.000000e+00 : f32
    %add3A_1092 = arith.addf %sub3A_1090, %add3A_1091 : f32
    %mul3A_1093 = arith.mulf %add3A_1089, %add3A_1092 : f32
    %eq3A_1094 = arith.constant 1.000000e+00 : f32
    %eq3A_1095 = arith.cmpf oeq, %add3A_1089, %eq3A_1094 : f32
    %eq3A_1096 = arith.constant 1.000000e+00 : f32
    %eq3A_1097 = arith.cmpf oeq, %add3A_1092, %eq3A_1096 : f32
    %and3A_1098 = arith.andi %eq3A_1095, %eq3A_1097 : i1
    %min3A_1099 = vector.broadcast %get3A_1078 : f32 to vector<160x128xf32>
    %min3A_1100 = arith.minimumf %get3A_13, %min3A_1099 : vector<160x128xf32>
    %max3A_1101 = vector.broadcast %get3A_1070 : f32 to vector<160x128xf32>
    %max3A_1102 = arith.maximumf %get3A_3, %max3A_1101 : vector<160x128xf32>
    %sub3A_1103 = arith.subf %min3A_1100, %max3A_1102 : vector<160x128xf32>
    %add3A_1104 = arith.constant 1.000000e+00 : f32
    %add3A_1105 = vector.broadcast %add3A_1104 : f32 to vector<160x128xf32>
    %add3A_1106 = arith.addf %sub3A_1103, %add3A_1105 : vector<160x128xf32>
    %max3A_1107 = arith.constant 0.000000e+00 : f32
    %max3A_1108 = vector.broadcast %max3A_1107 : f32 to vector<160x128xf32>
    %max3A_1109 = arith.maximumf %add3A_1106, %max3A_1108 : vector<160x128xf32>
    %min3A_1110 = vector.broadcast %get3A_1082 : f32 to vector<160x128xf32>
    %min3A_1111 = arith.minimumf %get3A_18, %min3A_1110 : vector<160x128xf32>
    %max3A_1112 = vector.broadcast %get3A_1074 : f32 to vector<160x128xf32>
    %max3A_1113 = arith.maximumf %get3A_8, %max3A_1112 : vector<160x128xf32>
    %sub3A_1114 = arith.subf %min3A_1111, %max3A_1113 : vector<160x128xf32>
    %add3A_1115 = arith.constant 1.000000e+00 : f32
    %add3A_1116 = vector.broadcast %add3A_1115 : f32 to vector<160x128xf32>
    %add3A_1117 = arith.addf %sub3A_1114, %add3A_1116 : vector<160x128xf32>
    %max3A_1118 = arith.constant 0.000000e+00 : f32
    %max3A_1119 = vector.broadcast %max3A_1118 : f32 to vector<160x128xf32>
    %max3A_1120 = arith.maximumf %add3A_1117, %max3A_1119 : vector<160x128xf32>
    %mul3A_1121 = arith.mulf %max3A_1109, %max3A_1120 : vector<160x128xf32>
    %add3A_1122 = vector.broadcast %mul3A_1093 : f32 to vector<160x128xf32>
    %add3A_1123 = arith.addf %mul3A, %add3A_1122 : vector<160x128xf32>
    %sub3A_1124 = arith.subf %add3A_1123, %mul3A_1121 : vector<160x128xf32>
    %div3A_1125 = arith.divf %mul3A_1121, %sub3A_1124 : vector<160x128xf32>
    %jit3A_1126 = arith.constant 0.000000e+00 : f32
    %broadcast_in_dim3A_1127 = vector.broadcast %jit3A_1126 : f32 to vector<160x128xf32>
    %select_n3A_1128 = arith.select %and3A_1098, %broadcast_in_dim3A_1127, %div3A_1125 : vector<160x128xf32>
    %gt3A_1129 = arith.cmpf ogt, %select_n3A_1128, %select_n3A_1056 : vector<160x128xf32>
    %select_n3A_1130 = arith.select %gt3A_1129, %select_n3A_1128, %select_n3A_1056 : vector<160x128xi1>, vector<160x128xf32>
    %broadcast_in_dim3A_1131 = vector.broadcast %get3A_1086 : f32 to vector<160x128xf32>
    %select_n3A_1132 = arith.select %gt3A_1129, %broadcast_in_dim3A_1131, %select_n3A_1058 : vector<160x128xi1>, vector<160x128xf32>
    %broadcast_in_dim3A_1133 = vector.broadcast %get3A_1070 : f32 to vector<160x128xf32>
    %select_n3A_1134 = arith.select %gt3A_1129, %broadcast_in_dim3A_1133, %select_n3A_1060 : vector<160x128xi1>, vector<160x128xf32>
    %broadcast_in_dim3A_1135 = vector.broadcast %get3A_1074 : f32 to vector<160x128xf32>
    %select_n3A_1136 = arith.select %gt3A_1129, %broadcast_in_dim3A_1135, %select_n3A_1062 : vector<160x128xi1>, vector<160x128xf32>
    %broadcast_in_dim3A_1137 = vector.broadcast %get3A_1078 : f32 to vector<160x128xf32>
    %select_n3A_1138 = arith.select %gt3A_1129, %broadcast_in_dim3A_1137, %select_n3A_1064 : vector<160x128xi1>, vector<160x128xf32>
    %broadcast_in_dim3A_1139 = vector.broadcast %get3A_1082 : f32 to vector<160x128xf32>
    %select_n3A_1140 = arith.select %gt3A_1129, %broadcast_in_dim3A_1139, %select_n3A_1066 : vector<160x128xi1>, vector<160x128xf32>
    %get3A_1141 = arith.constant 0 : index
    %get3A_1142 = arith.constant 15 : index
    %get3A_1143 = arith.constant 0 : index
    %get3A_1144 = memref.load %arg1[%get3A_1141, %get3A_1142, %get3A_1143] : memref<1x20x5xf32, #tpu.memory_space<smem>>
    %get3A_1145 = arith.constant 0 : index
    %get3A_1146 = arith.constant 15 : index
    %get3A_1147 = arith.constant 1 : index
    %get3A_1148 = memref.load %arg1[%get3A_1145, %get3A_1146, %get3A_1147] : memref<1x20x5xf32, #tpu.memory_space<smem>>
    %get3A_1149 = arith.constant 0 : index
    %get3A_1150 = arith.constant 15 : index
    %get3A_1151 = arith.constant 2 : index
    %get3A_1152 = memref.load %arg1[%get3A_1149, %get3A_1150, %get3A_1151] : memref<1x20x5xf32, #tpu.memory_space<smem>>
    %get3A_1153 = arith.constant 0 : index
    %get3A_1154 = arith.constant 15 : index
    %get3A_1155 = arith.constant 3 : index
    %get3A_1156 = memref.load %arg1[%get3A_1153, %get3A_1154, %get3A_1155] : memref<1x20x5xf32, #tpu.memory_space<smem>>
    %get3A_1157 = arith.constant 0 : index
    %get3A_1158 = arith.constant 15 : index
    %get3A_1159 = arith.constant 4 : index
    %get3A_1160 = memref.load %arg1[%get3A_1157, %get3A_1158, %get3A_1159] : memref<1x20x5xf32, #tpu.memory_space<smem>>
    %sub3A_1161 = arith.subf %get3A_1152, %get3A_1144 : f32
    %add3A_1162 = arith.constant 1.000000e+00 : f32
    %add3A_1163 = arith.addf %sub3A_1161, %add3A_1162 : f32
    %sub3A_1164 = arith.subf %get3A_1156, %get3A_1148 : f32
    %add3A_1165 = arith.constant 1.000000e+00 : f32
    %add3A_1166 = arith.addf %sub3A_1164, %add3A_1165 : f32
    %mul3A_1167 = arith.mulf %add3A_1163, %add3A_1166 : f32
    %eq3A_1168 = arith.constant 1.000000e+00 : f32
    %eq3A_1169 = arith.cmpf oeq, %add3A_1163, %eq3A_1168 : f32
    %eq3A_1170 = arith.constant 1.000000e+00 : f32
    %eq3A_1171 = arith.cmpf oeq, %add3A_1166, %eq3A_1170 : f32
    %and3A_1172 = arith.andi %eq3A_1169, %eq3A_1171 : i1
    %min3A_1173 = vector.broadcast %get3A_1152 : f32 to vector<160x128xf32>
    %min3A_1174 = arith.minimumf %get3A_13, %min3A_1173 : vector<160x128xf32>
    %max3A_1175 = vector.broadcast %get3A_1144 : f32 to vector<160x128xf32>
    %max3A_1176 = arith.maximumf %get3A_3, %max3A_1175 : vector<160x128xf32>
    %sub3A_1177 = arith.subf %min3A_1174, %max3A_1176 : vector<160x128xf32>
    %add3A_1178 = arith.constant 1.000000e+00 : f32
    %add3A_1179 = vector.broadcast %add3A_1178 : f32 to vector<160x128xf32>
    %add3A_1180 = arith.addf %sub3A_1177, %add3A_1179 : vector<160x128xf32>
    %max3A_1181 = arith.constant 0.000000e+00 : f32
    %max3A_1182 = vector.broadcast %max3A_1181 : f32 to vector<160x128xf32>
    %max3A_1183 = arith.maximumf %add3A_1180, %max3A_1182 : vector<160x128xf32>
    %min3A_1184 = vector.broadcast %get3A_1156 : f32 to vector<160x128xf32>
    %min3A_1185 = arith.minimumf %get3A_18, %min3A_1184 : vector<160x128xf32>
    %max3A_1186 = vector.broadcast %get3A_1148 : f32 to vector<160x128xf32>
    %max3A_1187 = arith.maximumf %get3A_8, %max3A_1186 : vector<160x128xf32>
    %sub3A_1188 = arith.subf %min3A_1185, %max3A_1187 : vector<160x128xf32>
    %add3A_1189 = arith.constant 1.000000e+00 : f32
    %add3A_1190 = vector.broadcast %add3A_1189 : f32 to vector<160x128xf32>
    %add3A_1191 = arith.addf %sub3A_1188, %add3A_1190 : vector<160x128xf32>
    %max3A_1192 = arith.constant 0.000000e+00 : f32
    %max3A_1193 = vector.broadcast %max3A_1192 : f32 to vector<160x128xf32>
    %max3A_1194 = arith.maximumf %add3A_1191, %max3A_1193 : vector<160x128xf32>
    %mul3A_1195 = arith.mulf %max3A_1183, %max3A_1194 : vector<160x128xf32>
    %add3A_1196 = vector.broadcast %mul3A_1167 : f32 to vector<160x128xf32>
    %add3A_1197 = arith.addf %mul3A, %add3A_1196 : vector<160x128xf32>
    %sub3A_1198 = arith.subf %add3A_1197, %mul3A_1195 : vector<160x128xf32>
    %div3A_1199 = arith.divf %mul3A_1195, %sub3A_1198 : vector<160x128xf32>
    %jit3A_1200 = arith.constant 0.000000e+00 : f32
    %broadcast_in_dim3A_1201 = vector.broadcast %jit3A_1200 : f32 to vector<160x128xf32>
    %select_n3A_1202 = arith.select %and3A_1172, %broadcast_in_dim3A_1201, %div3A_1199 : vector<160x128xf32>
    %gt3A_1203 = arith.cmpf ogt, %select_n3A_1202, %select_n3A_1130 : vector<160x128xf32>
    %select_n3A_1204 = arith.select %gt3A_1203, %select_n3A_1202, %select_n3A_1130 : vector<160x128xi1>, vector<160x128xf32>
    %broadcast_in_dim3A_1205 = vector.broadcast %get3A_1160 : f32 to vector<160x128xf32>
    %select_n3A_1206 = arith.select %gt3A_1203, %broadcast_in_dim3A_1205, %select_n3A_1132 : vector<160x128xi1>, vector<160x128xf32>
    %broadcast_in_dim3A_1207 = vector.broadcast %get3A_1144 : f32 to vector<160x128xf32>
    %select_n3A_1208 = arith.select %gt3A_1203, %broadcast_in_dim3A_1207, %select_n3A_1134 : vector<160x128xi1>, vector<160x128xf32>
    %broadcast_in_dim3A_1209 = vector.broadcast %get3A_1148 : f32 to vector<160x128xf32>
    %select_n3A_1210 = arith.select %gt3A_1203, %broadcast_in_dim3A_1209, %select_n3A_1136 : vector<160x128xi1>, vector<160x128xf32>
    %broadcast_in_dim3A_1211 = vector.broadcast %get3A_1152 : f32 to vector<160x128xf32>
    %select_n3A_1212 = arith.select %gt3A_1203, %broadcast_in_dim3A_1211, %select_n3A_1138 : vector<160x128xi1>, vector<160x128xf32>
    %broadcast_in_dim3A_1213 = vector.broadcast %get3A_1156 : f32 to vector<160x128xf32>
    %select_n3A_1214 = arith.select %gt3A_1203, %broadcast_in_dim3A_1213, %select_n3A_1140 : vector<160x128xi1>, vector<160x128xf32>
    %get3A_1215 = arith.constant 0 : index
    %get3A_1216 = arith.constant 16 : index
    %get3A_1217 = arith.constant 0 : index
    %get3A_1218 = memref.load %arg1[%get3A_1215, %get3A_1216, %get3A_1217] : memref<1x20x5xf32, #tpu.memory_space<smem>>
    %get3A_1219 = arith.constant 0 : index
    %get3A_1220 = arith.constant 16 : index
    %get3A_1221 = arith.constant 1 : index
    %get3A_1222 = memref.load %arg1[%get3A_1219, %get3A_1220, %get3A_1221] : memref<1x20x5xf32, #tpu.memory_space<smem>>
    %get3A_1223 = arith.constant 0 : index
    %get3A_1224 = arith.constant 16 : index
    %get3A_1225 = arith.constant 2 : index
    %get3A_1226 = memref.load %arg1[%get3A_1223, %get3A_1224, %get3A_1225] : memref<1x20x5xf32, #tpu.memory_space<smem>>
    %get3A_1227 = arith.constant 0 : index
    %get3A_1228 = arith.constant 16 : index
    %get3A_1229 = arith.constant 3 : index
    %get3A_1230 = memref.load %arg1[%get3A_1227, %get3A_1228, %get3A_1229] : memref<1x20x5xf32, #tpu.memory_space<smem>>
    %get3A_1231 = arith.constant 0 : index
    %get3A_1232 = arith.constant 16 : index
    %get3A_1233 = arith.constant 4 : index
    %get3A_1234 = memref.load %arg1[%get3A_1231, %get3A_1232, %get3A_1233] : memref<1x20x5xf32, #tpu.memory_space<smem>>
    %sub3A_1235 = arith.subf %get3A_1226, %get3A_1218 : f32
    %add3A_1236 = arith.constant 1.000000e+00 : f32
    %add3A_1237 = arith.addf %sub3A_1235, %add3A_1236 : f32
    %sub3A_1238 = arith.subf %get3A_1230, %get3A_1222 : f32
    %add3A_1239 = arith.constant 1.000000e+00 : f32
    %add3A_1240 = arith.addf %sub3A_1238, %add3A_1239 : f32
    %mul3A_1241 = arith.mulf %add3A_1237, %add3A_1240 : f32
    %eq3A_1242 = arith.constant 1.000000e+00 : f32
    %eq3A_1243 = arith.cmpf oeq, %add3A_1237, %eq3A_1242 : f32
    %eq3A_1244 = arith.constant 1.000000e+00 : f32
    %eq3A_1245 = arith.cmpf oeq, %add3A_1240, %eq3A_1244 : f32
    %and3A_1246 = arith.andi %eq3A_1243, %eq3A_1245 : i1
    %min3A_1247 = vector.broadcast %get3A_1226 : f32 to vector<160x128xf32>
    %min3A_1248 = arith.minimumf %get3A_13, %min3A_1247 : vector<160x128xf32>
    %max3A_1249 = vector.broadcast %get3A_1218 : f32 to vector<160x128xf32>
    %max3A_1250 = arith.maximumf %get3A_3, %max3A_1249 : vector<160x128xf32>
    %sub3A_1251 = arith.subf %min3A_1248, %max3A_1250 : vector<160x128xf32>
    %add3A_1252 = arith.constant 1.000000e+00 : f32
    %add3A_1253 = vector.broadcast %add3A_1252 : f32 to vector<160x128xf32>
    %add3A_1254 = arith.addf %sub3A_1251, %add3A_1253 : vector<160x128xf32>
    %max3A_1255 = arith.constant 0.000000e+00 : f32
    %max3A_1256 = vector.broadcast %max3A_1255 : f32 to vector<160x128xf32>
    %max3A_1257 = arith.maximumf %add3A_1254, %max3A_1256 : vector<160x128xf32>
    %min3A_1258 = vector.broadcast %get3A_1230 : f32 to vector<160x128xf32>
    %min3A_1259 = arith.minimumf %get3A_18, %min3A_1258 : vector<160x128xf32>
    %max3A_1260 = vector.broadcast %get3A_1222 : f32 to vector<160x128xf32>
    %max3A_1261 = arith.maximumf %get3A_8, %max3A_1260 : vector<160x128xf32>
    %sub3A_1262 = arith.subf %min3A_1259, %max3A_1261 : vector<160x128xf32>
    %add3A_1263 = arith.constant 1.000000e+00 : f32
    %add3A_1264 = vector.broadcast %add3A_1263 : f32 to vector<160x128xf32>
    %add3A_1265 = arith.addf %sub3A_1262, %add3A_1264 : vector<160x128xf32>
    %max3A_1266 = arith.constant 0.000000e+00 : f32
    %max3A_1267 = vector.broadcast %max3A_1266 : f32 to vector<160x128xf32>
    %max3A_1268 = arith.maximumf %add3A_1265, %max3A_1267 : vector<160x128xf32>
    %mul3A_1269 = arith.mulf %max3A_1257, %max3A_1268 : vector<160x128xf32>
    %add3A_1270 = vector.broadcast %mul3A_1241 : f32 to vector<160x128xf32>
    %add3A_1271 = arith.addf %mul3A, %add3A_1270 : vector<160x128xf32>
    %sub3A_1272 = arith.subf %add3A_1271, %mul3A_1269 : vector<160x128xf32>
    %div3A_1273 = arith.divf %mul3A_1269, %sub3A_1272 : vector<160x128xf32>
    %jit3A_1274 = arith.constant 0.000000e+00 : f32
    %broadcast_in_dim3A_1275 = vector.broadcast %jit3A_1274 : f32 to vector<160x128xf32>
    %select_n3A_1276 = arith.select %and3A_1246, %broadcast_in_dim3A_1275, %div3A_1273 : vector<160x128xf32>
    %gt3A_1277 = arith.cmpf ogt, %select_n3A_1276, %select_n3A_1204 : vector<160x128xf32>
    %select_n3A_1278 = arith.select %gt3A_1277, %select_n3A_1276, %select_n3A_1204 : vector<160x128xi1>, vector<160x128xf32>
    %broadcast_in_dim3A_1279 = vector.broadcast %get3A_1234 : f32 to vector<160x128xf32>
    %select_n3A_1280 = arith.select %gt3A_1277, %broadcast_in_dim3A_1279, %select_n3A_1206 : vector<160x128xi1>, vector<160x128xf32>
    %broadcast_in_dim3A_1281 = vector.broadcast %get3A_1218 : f32 to vector<160x128xf32>
    %select_n3A_1282 = arith.select %gt3A_1277, %broadcast_in_dim3A_1281, %select_n3A_1208 : vector<160x128xi1>, vector<160x128xf32>
    %broadcast_in_dim3A_1283 = vector.broadcast %get3A_1222 : f32 to vector<160x128xf32>
    %select_n3A_1284 = arith.select %gt3A_1277, %broadcast_in_dim3A_1283, %select_n3A_1210 : vector<160x128xi1>, vector<160x128xf32>
    %broadcast_in_dim3A_1285 = vector.broadcast %get3A_1226 : f32 to vector<160x128xf32>
    %select_n3A_1286 = arith.select %gt3A_1277, %broadcast_in_dim3A_1285, %select_n3A_1212 : vector<160x128xi1>, vector<160x128xf32>
    %broadcast_in_dim3A_1287 = vector.broadcast %get3A_1230 : f32 to vector<160x128xf32>
    %select_n3A_1288 = arith.select %gt3A_1277, %broadcast_in_dim3A_1287, %select_n3A_1214 : vector<160x128xi1>, vector<160x128xf32>
    %get3A_1289 = arith.constant 0 : index
    %get3A_1290 = arith.constant 17 : index
    %get3A_1291 = arith.constant 0 : index
    %get3A_1292 = memref.load %arg1[%get3A_1289, %get3A_1290, %get3A_1291] : memref<1x20x5xf32, #tpu.memory_space<smem>>
    %get3A_1293 = arith.constant 0 : index
    %get3A_1294 = arith.constant 17 : index
    %get3A_1295 = arith.constant 1 : index
    %get3A_1296 = memref.load %arg1[%get3A_1293, %get3A_1294, %get3A_1295] : memref<1x20x5xf32, #tpu.memory_space<smem>>
    %get3A_1297 = arith.constant 0 : index
    %get3A_1298 = arith.constant 17 : index
    %get3A_1299 = arith.constant 2 : index
    %get3A_1300 = memref.load %arg1[%get3A_1297, %get3A_1298, %get3A_1299] : memref<1x20x5xf32, #tpu.memory_space<smem>>
    %get3A_1301 = arith.constant 0 : index
    %get3A_1302 = arith.constant 17 : index
    %get3A_1303 = arith.constant 3 : index
    %get3A_1304 = memref.load %arg1[%get3A_1301, %get3A_1302, %get3A_1303] : memref<1x20x5xf32, #tpu.memory_space<smem>>
    %get3A_1305 = arith.constant 0 : index
    %get3A_1306 = arith.constant 17 : index
    %get3A_1307 = arith.constant 4 : index
    %get3A_1308 = memref.load %arg1[%get3A_1305, %get3A_1306, %get3A_1307] : memref<1x20x5xf32, #tpu.memory_space<smem>>
    %sub3A_1309 = arith.subf %get3A_1300, %get3A_1292 : f32
    %add3A_1310 = arith.constant 1.000000e+00 : f32
    %add3A_1311 = arith.addf %sub3A_1309, %add3A_1310 : f32
    %sub3A_1312 = arith.subf %get3A_1304, %get3A_1296 : f32
    %add3A_1313 = arith.constant 1.000000e+00 : f32
    %add3A_1314 = arith.addf %sub3A_1312, %add3A_1313 : f32
    %mul3A_1315 = arith.mulf %add3A_1311, %add3A_1314 : f32
    %eq3A_1316 = arith.constant 1.000000e+00 : f32
    %eq3A_1317 = arith.cmpf oeq, %add3A_1311, %eq3A_1316 : f32
    %eq3A_1318 = arith.constant 1.000000e+00 : f32
    %eq3A_1319 = arith.cmpf oeq, %add3A_1314, %eq3A_1318 : f32
    %and3A_1320 = arith.andi %eq3A_1317, %eq3A_1319 : i1
    %min3A_1321 = vector.broadcast %get3A_1300 : f32 to vector<160x128xf32>
    %min3A_1322 = arith.minimumf %get3A_13, %min3A_1321 : vector<160x128xf32>
    %max3A_1323 = vector.broadcast %get3A_1292 : f32 to vector<160x128xf32>
    %max3A_1324 = arith.maximumf %get3A_3, %max3A_1323 : vector<160x128xf32>
    %sub3A_1325 = arith.subf %min3A_1322, %max3A_1324 : vector<160x128xf32>
    %add3A_1326 = arith.constant 1.000000e+00 : f32
    %add3A_1327 = vector.broadcast %add3A_1326 : f32 to vector<160x128xf32>
    %add3A_1328 = arith.addf %sub3A_1325, %add3A_1327 : vector<160x128xf32>
    %max3A_1329 = arith.constant 0.000000e+00 : f32
    %max3A_1330 = vector.broadcast %max3A_1329 : f32 to vector<160x128xf32>
    %max3A_1331 = arith.maximumf %add3A_1328, %max3A_1330 : vector<160x128xf32>
    %min3A_1332 = vector.broadcast %get3A_1304 : f32 to vector<160x128xf32>
    %min3A_1333 = arith.minimumf %get3A_18, %min3A_1332 : vector<160x128xf32>
    %max3A_1334 = vector.broadcast %get3A_1296 : f32 to vector<160x128xf32>
    %max3A_1335 = arith.maximumf %get3A_8, %max3A_1334 : vector<160x128xf32>
    %sub3A_1336 = arith.subf %min3A_1333, %max3A_1335 : vector<160x128xf32>
    %add3A_1337 = arith.constant 1.000000e+00 : f32
    %add3A_1338 = vector.broadcast %add3A_1337 : f32 to vector<160x128xf32>
    %add3A_1339 = arith.addf %sub3A_1336, %add3A_1338 : vector<160x128xf32>
    %max3A_1340 = arith.constant 0.000000e+00 : f32
    %max3A_1341 = vector.broadcast %max3A_1340 : f32 to vector<160x128xf32>
    %max3A_1342 = arith.maximumf %add3A_1339, %max3A_1341 : vector<160x128xf32>
    %mul3A_1343 = arith.mulf %max3A_1331, %max3A_1342 : vector<160x128xf32>
    %add3A_1344 = vector.broadcast %mul3A_1315 : f32 to vector<160x128xf32>
    %add3A_1345 = arith.addf %mul3A, %add3A_1344 : vector<160x128xf32>
    %sub3A_1346 = arith.subf %add3A_1345, %mul3A_1343 : vector<160x128xf32>
    %div3A_1347 = arith.divf %mul3A_1343, %sub3A_1346 : vector<160x128xf32>
    %jit3A_1348 = arith.constant 0.000000e+00 : f32
    %broadcast_in_dim3A_1349 = vector.broadcast %jit3A_1348 : f32 to vector<160x128xf32>
    %select_n3A_1350 = arith.select %and3A_1320, %broadcast_in_dim3A_1349, %div3A_1347 : vector<160x128xf32>
    %gt3A_1351 = arith.cmpf ogt, %select_n3A_1350, %select_n3A_1278 : vector<160x128xf32>
    %select_n3A_1352 = arith.select %gt3A_1351, %select_n3A_1350, %select_n3A_1278 : vector<160x128xi1>, vector<160x128xf32>
    %broadcast_in_dim3A_1353 = vector.broadcast %get3A_1308 : f32 to vector<160x128xf32>
    %select_n3A_1354 = arith.select %gt3A_1351, %broadcast_in_dim3A_1353, %select_n3A_1280 : vector<160x128xi1>, vector<160x128xf32>
    %broadcast_in_dim3A_1355 = vector.broadcast %get3A_1292 : f32 to vector<160x128xf32>
    %select_n3A_1356 = arith.select %gt3A_1351, %broadcast_in_dim3A_1355, %select_n3A_1282 : vector<160x128xi1>, vector<160x128xf32>
    %broadcast_in_dim3A_1357 = vector.broadcast %get3A_1296 : f32 to vector<160x128xf32>
    %select_n3A_1358 = arith.select %gt3A_1351, %broadcast_in_dim3A_1357, %select_n3A_1284 : vector<160x128xi1>, vector<160x128xf32>
    %broadcast_in_dim3A_1359 = vector.broadcast %get3A_1300 : f32 to vector<160x128xf32>
    %select_n3A_1360 = arith.select %gt3A_1351, %broadcast_in_dim3A_1359, %select_n3A_1286 : vector<160x128xi1>, vector<160x128xf32>
    %broadcast_in_dim3A_1361 = vector.broadcast %get3A_1304 : f32 to vector<160x128xf32>
    %select_n3A_1362 = arith.select %gt3A_1351, %broadcast_in_dim3A_1361, %select_n3A_1288 : vector<160x128xi1>, vector<160x128xf32>
    %get3A_1363 = arith.constant 0 : index
    %get3A_1364 = arith.constant 18 : index
    %get3A_1365 = arith.constant 0 : index
    %get3A_1366 = memref.load %arg1[%get3A_1363, %get3A_1364, %get3A_1365] : memref<1x20x5xf32, #tpu.memory_space<smem>>
    %get3A_1367 = arith.constant 0 : index
    %get3A_1368 = arith.constant 18 : index
    %get3A_1369 = arith.constant 1 : index
    %get3A_1370 = memref.load %arg1[%get3A_1367, %get3A_1368, %get3A_1369] : memref<1x20x5xf32, #tpu.memory_space<smem>>
    %get3A_1371 = arith.constant 0 : index
    %get3A_1372 = arith.constant 18 : index
    %get3A_1373 = arith.constant 2 : index
    %get3A_1374 = memref.load %arg1[%get3A_1371, %get3A_1372, %get3A_1373] : memref<1x20x5xf32, #tpu.memory_space<smem>>
    %get3A_1375 = arith.constant 0 : index
    %get3A_1376 = arith.constant 18 : index
    %get3A_1377 = arith.constant 3 : index
    %get3A_1378 = memref.load %arg1[%get3A_1375, %get3A_1376, %get3A_1377] : memref<1x20x5xf32, #tpu.memory_space<smem>>
    %get3A_1379 = arith.constant 0 : index
    %get3A_1380 = arith.constant 18 : index
    %get3A_1381 = arith.constant 4 : index
    %get3A_1382 = memref.load %arg1[%get3A_1379, %get3A_1380, %get3A_1381] : memref<1x20x5xf32, #tpu.memory_space<smem>>
    %sub3A_1383 = arith.subf %get3A_1374, %get3A_1366 : f32
    %add3A_1384 = arith.constant 1.000000e+00 : f32
    %add3A_1385 = arith.addf %sub3A_1383, %add3A_1384 : f32
    %sub3A_1386 = arith.subf %get3A_1378, %get3A_1370 : f32
    %add3A_1387 = arith.constant 1.000000e+00 : f32
    %add3A_1388 = arith.addf %sub3A_1386, %add3A_1387 : f32
    %mul3A_1389 = arith.mulf %add3A_1385, %add3A_1388 : f32
    %eq3A_1390 = arith.constant 1.000000e+00 : f32
    %eq3A_1391 = arith.cmpf oeq, %add3A_1385, %eq3A_1390 : f32
    %eq3A_1392 = arith.constant 1.000000e+00 : f32
    %eq3A_1393 = arith.cmpf oeq, %add3A_1388, %eq3A_1392 : f32
    %and3A_1394 = arith.andi %eq3A_1391, %eq3A_1393 : i1
    %min3A_1395 = vector.broadcast %get3A_1374 : f32 to vector<160x128xf32>
    %min3A_1396 = arith.minimumf %get3A_13, %min3A_1395 : vector<160x128xf32>
    %max3A_1397 = vector.broadcast %get3A_1366 : f32 to vector<160x128xf32>
    %max3A_1398 = arith.maximumf %get3A_3, %max3A_1397 : vector<160x128xf32>
    %sub3A_1399 = arith.subf %min3A_1396, %max3A_1398 : vector<160x128xf32>
    %add3A_1400 = arith.constant 1.000000e+00 : f32
    %add3A_1401 = vector.broadcast %add3A_1400 : f32 to vector<160x128xf32>
    %add3A_1402 = arith.addf %sub3A_1399, %add3A_1401 : vector<160x128xf32>
    %max3A_1403 = arith.constant 0.000000e+00 : f32
    %max3A_1404 = vector.broadcast %max3A_1403 : f32 to vector<160x128xf32>
    %max3A_1405 = arith.maximumf %add3A_1402, %max3A_1404 : vector<160x128xf32>
    %min3A_1406 = vector.broadcast %get3A_1378 : f32 to vector<160x128xf32>
    %min3A_1407 = arith.minimumf %get3A_18, %min3A_1406 : vector<160x128xf32>
    %max3A_1408 = vector.broadcast %get3A_1370 : f32 to vector<160x128xf32>
    %max3A_1409 = arith.maximumf %get3A_8, %max3A_1408 : vector<160x128xf32>
    %sub3A_1410 = arith.subf %min3A_1407, %max3A_1409 : vector<160x128xf32>
    %add3A_1411 = arith.constant 1.000000e+00 : f32
    %add3A_1412 = vector.broadcast %add3A_1411 : f32 to vector<160x128xf32>
    %add3A_1413 = arith.addf %sub3A_1410, %add3A_1412 : vector<160x128xf32>
    %max3A_1414 = arith.constant 0.000000e+00 : f32
    %max3A_1415 = vector.broadcast %max3A_1414 : f32 to vector<160x128xf32>
    %max3A_1416 = arith.maximumf %add3A_1413, %max3A_1415 : vector<160x128xf32>
    %mul3A_1417 = arith.mulf %max3A_1405, %max3A_1416 : vector<160x128xf32>
    %add3A_1418 = vector.broadcast %mul3A_1389 : f32 to vector<160x128xf32>
    %add3A_1419 = arith.addf %mul3A, %add3A_1418 : vector<160x128xf32>
    %sub3A_1420 = arith.subf %add3A_1419, %mul3A_1417 : vector<160x128xf32>
    %div3A_1421 = arith.divf %mul3A_1417, %sub3A_1420 : vector<160x128xf32>
    %jit3A_1422 = arith.constant 0.000000e+00 : f32
    %broadcast_in_dim3A_1423 = vector.broadcast %jit3A_1422 : f32 to vector<160x128xf32>
    %select_n3A_1424 = arith.select %and3A_1394, %broadcast_in_dim3A_1423, %div3A_1421 : vector<160x128xf32>
    %gt3A_1425 = arith.cmpf ogt, %select_n3A_1424, %select_n3A_1352 : vector<160x128xf32>
    %select_n3A_1426 = arith.select %gt3A_1425, %select_n3A_1424, %select_n3A_1352 : vector<160x128xi1>, vector<160x128xf32>
    %broadcast_in_dim3A_1427 = vector.broadcast %get3A_1382 : f32 to vector<160x128xf32>
    %select_n3A_1428 = arith.select %gt3A_1425, %broadcast_in_dim3A_1427, %select_n3A_1354 : vector<160x128xi1>, vector<160x128xf32>
    %broadcast_in_dim3A_1429 = vector.broadcast %get3A_1366 : f32 to vector<160x128xf32>
    %select_n3A_1430 = arith.select %gt3A_1425, %broadcast_in_dim3A_1429, %select_n3A_1356 : vector<160x128xi1>, vector<160x128xf32>
    %broadcast_in_dim3A_1431 = vector.broadcast %get3A_1370 : f32 to vector<160x128xf32>
    %select_n3A_1432 = arith.select %gt3A_1425, %broadcast_in_dim3A_1431, %select_n3A_1358 : vector<160x128xi1>, vector<160x128xf32>
    %broadcast_in_dim3A_1433 = vector.broadcast %get3A_1374 : f32 to vector<160x128xf32>
    %select_n3A_1434 = arith.select %gt3A_1425, %broadcast_in_dim3A_1433, %select_n3A_1360 : vector<160x128xi1>, vector<160x128xf32>
    %broadcast_in_dim3A_1435 = vector.broadcast %get3A_1378 : f32 to vector<160x128xf32>
    %select_n3A_1436 = arith.select %gt3A_1425, %broadcast_in_dim3A_1435, %select_n3A_1362 : vector<160x128xi1>, vector<160x128xf32>
    %get3A_1437 = arith.constant 0 : index
    %get3A_1438 = arith.constant 19 : index
    %get3A_1439 = arith.constant 0 : index
    %get3A_1440 = memref.load %arg1[%get3A_1437, %get3A_1438, %get3A_1439] : memref<1x20x5xf32, #tpu.memory_space<smem>>
    %get3A_1441 = arith.constant 0 : index
    %get3A_1442 = arith.constant 19 : index
    %get3A_1443 = arith.constant 1 : index
    %get3A_1444 = memref.load %arg1[%get3A_1441, %get3A_1442, %get3A_1443] : memref<1x20x5xf32, #tpu.memory_space<smem>>
    %get3A_1445 = arith.constant 0 : index
    %get3A_1446 = arith.constant 19 : index
    %get3A_1447 = arith.constant 2 : index
    %get3A_1448 = memref.load %arg1[%get3A_1445, %get3A_1446, %get3A_1447] : memref<1x20x5xf32, #tpu.memory_space<smem>>
    %get3A_1449 = arith.constant 0 : index
    %get3A_1450 = arith.constant 19 : index
    %get3A_1451 = arith.constant 3 : index
    %get3A_1452 = memref.load %arg1[%get3A_1449, %get3A_1450, %get3A_1451] : memref<1x20x5xf32, #tpu.memory_space<smem>>
    %get3A_1453 = arith.constant 0 : index
    %get3A_1454 = arith.constant 19 : index
    %get3A_1455 = arith.constant 4 : index
    %get3A_1456 = memref.load %arg1[%get3A_1453, %get3A_1454, %get3A_1455] : memref<1x20x5xf32, #tpu.memory_space<smem>>
    %sub3A_1457 = arith.subf %get3A_1448, %get3A_1440 : f32
    %add3A_1458 = arith.constant 1.000000e+00 : f32
    %add3A_1459 = arith.addf %sub3A_1457, %add3A_1458 : f32
    %sub3A_1460 = arith.subf %get3A_1452, %get3A_1444 : f32
    %add3A_1461 = arith.constant 1.000000e+00 : f32
    %add3A_1462 = arith.addf %sub3A_1460, %add3A_1461 : f32
    %mul3A_1463 = arith.mulf %add3A_1459, %add3A_1462 : f32
    %eq3A_1464 = arith.constant 1.000000e+00 : f32
    %eq3A_1465 = arith.cmpf oeq, %add3A_1459, %eq3A_1464 : f32
    %eq3A_1466 = arith.constant 1.000000e+00 : f32
    %eq3A_1467 = arith.cmpf oeq, %add3A_1462, %eq3A_1466 : f32
    %and3A_1468 = arith.andi %eq3A_1465, %eq3A_1467 : i1
    %min3A_1469 = vector.broadcast %get3A_1448 : f32 to vector<160x128xf32>
    %min3A_1470 = arith.minimumf %get3A_13, %min3A_1469 : vector<160x128xf32>
    %max3A_1471 = vector.broadcast %get3A_1440 : f32 to vector<160x128xf32>
    %max3A_1472 = arith.maximumf %get3A_3, %max3A_1471 : vector<160x128xf32>
    %sub3A_1473 = arith.subf %min3A_1470, %max3A_1472 : vector<160x128xf32>
    %add3A_1474 = arith.constant 1.000000e+00 : f32
    %add3A_1475 = vector.broadcast %add3A_1474 : f32 to vector<160x128xf32>
    %add3A_1476 = arith.addf %sub3A_1473, %add3A_1475 : vector<160x128xf32>
    %max3A_1477 = arith.constant 0.000000e+00 : f32
    %max3A_1478 = vector.broadcast %max3A_1477 : f32 to vector<160x128xf32>
    %max3A_1479 = arith.maximumf %add3A_1476, %max3A_1478 : vector<160x128xf32>
    %min3A_1480 = vector.broadcast %get3A_1452 : f32 to vector<160x128xf32>
    %min3A_1481 = arith.minimumf %get3A_18, %min3A_1480 : vector<160x128xf32>
    %max3A_1482 = vector.broadcast %get3A_1444 : f32 to vector<160x128xf32>
    %max3A_1483 = arith.maximumf %get3A_8, %max3A_1482 : vector<160x128xf32>
    %sub3A_1484 = arith.subf %min3A_1481, %max3A_1483 : vector<160x128xf32>
    %add3A_1485 = arith.constant 1.000000e+00 : f32
    %add3A_1486 = vector.broadcast %add3A_1485 : f32 to vector<160x128xf32>
    %add3A_1487 = arith.addf %sub3A_1484, %add3A_1486 : vector<160x128xf32>
    %max3A_1488 = arith.constant 0.000000e+00 : f32
    %max3A_1489 = vector.broadcast %max3A_1488 : f32 to vector<160x128xf32>
    %max3A_1490 = arith.maximumf %add3A_1487, %max3A_1489 : vector<160x128xf32>
    %mul3A_1491 = arith.mulf %max3A_1479, %max3A_1490 : vector<160x128xf32>
    %add3A_1492 = vector.broadcast %mul3A_1463 : f32 to vector<160x128xf32>
    %add3A_1493 = arith.addf %mul3A, %add3A_1492 : vector<160x128xf32>
    %sub3A_1494 = arith.subf %add3A_1493, %mul3A_1491 : vector<160x128xf32>
    %div3A_1495 = arith.divf %mul3A_1491, %sub3A_1494 : vector<160x128xf32>
    %jit3A_1496 = arith.constant 0.000000e+00 : f32
    %broadcast_in_dim3A_1497 = vector.broadcast %jit3A_1496 : f32 to vector<160x128xf32>
    %select_n3A_1498 = arith.select %and3A_1468, %broadcast_in_dim3A_1497, %div3A_1495 : vector<160x128xf32>
    %gt3A_1499 = arith.cmpf ogt, %select_n3A_1498, %select_n3A_1426 : vector<160x128xf32>
    %select_n3A_1500 = arith.select %gt3A_1499, %select_n3A_1498, %select_n3A_1426 : vector<160x128xi1>, vector<160x128xf32>
    %broadcast_in_dim3A_1501 = vector.broadcast %get3A_1456 : f32 to vector<160x128xf32>
    %select_n3A_1502 = arith.select %gt3A_1499, %broadcast_in_dim3A_1501, %select_n3A_1428 : vector<160x128xi1>, vector<160x128xf32>
    %broadcast_in_dim3A_1503 = vector.broadcast %get3A_1440 : f32 to vector<160x128xf32>
    %select_n3A_1504 = arith.select %gt3A_1499, %broadcast_in_dim3A_1503, %select_n3A_1430 : vector<160x128xi1>, vector<160x128xf32>
    %broadcast_in_dim3A_1505 = vector.broadcast %get3A_1444 : f32 to vector<160x128xf32>
    %select_n3A_1506 = arith.select %gt3A_1499, %broadcast_in_dim3A_1505, %select_n3A_1432 : vector<160x128xi1>, vector<160x128xf32>
    %broadcast_in_dim3A_1507 = vector.broadcast %get3A_1448 : f32 to vector<160x128xf32>
    %select_n3A_1508 = arith.select %gt3A_1499, %broadcast_in_dim3A_1507, %select_n3A_1434 : vector<160x128xi1>, vector<160x128xf32>
    %broadcast_in_dim3A_1509 = vector.broadcast %get3A_1452 : f32 to vector<160x128xf32>
    %select_n3A_1510 = arith.select %gt3A_1499, %broadcast_in_dim3A_1509, %select_n3A_1436 : vector<160x128xi1>, vector<160x128xf32>
    %jit3A_1511 = arith.constant -1.000000e+00 : f32
    %broadcast_in_dim3A_1512 = vector.broadcast %jit3A_1511 : f32 to vector<160x128xf32>
    %select_n3A_1513 = arith.select %and3A, %broadcast_in_dim3A_1512, %select_n3A_1500 : vector<160x128xi1>, vector<160x128xf32>
    %ge3A = arith.constant 5.000000e-01 : f32
    %ge3A_1514 = vector.broadcast %ge3A : f32 to vector<160x128xf32>
    %ge3A_1515 = arith.cmpf oge, %select_n3A_1513, %ge3A_1514 : vector<160x128xf32>
    %jit3A_1516 = arith.constant 0.000000e+00 : f32
    %broadcast_in_dim3A_1517 = vector.broadcast %jit3A_1516 : f32 to vector<160x128xf32>
    %select_n3A_1518 = arith.select %ge3A_1515, %select_n3A_1502, %broadcast_in_dim3A_1517 : vector<160x128xi1>, vector<160x128xf32>
    %mul3A_1519 = arith.constant 5.000000e-01 : f32
    %mul3A_1520 = vector.broadcast %mul3A_1519 : f32 to vector<160x128xf32>
    %mul3A_1521 = arith.mulf %mul3A_1520, %add3A_20 : vector<160x128xf32>
    %add3A_1522 = arith.addf %get3A_3, %mul3A_1521 : vector<160x128xf32>
    %mul3A_1523 = arith.constant 5.000000e-01 : f32
    %mul3A_1524 = vector.broadcast %mul3A_1523 : f32 to vector<160x128xf32>
    %mul3A_1525 = arith.mulf %mul3A_1524, %add3A_24 : vector<160x128xf32>
    %add3A_1526 = arith.addf %get3A_8, %mul3A_1525 : vector<160x128xf32>
    %sub3A_1527 = arith.subf %select_n3A_1508, %select_n3A_1504 : vector<160x128xf32>
    %add3A_1528 = arith.constant 1.000000e+00 : f32
    %add3A_1529 = vector.broadcast %add3A_1528 : f32 to vector<160x128xf32>
    %add3A_1530 = arith.addf %sub3A_1527, %add3A_1529 : vector<160x128xf32>
    %sub3A_1531 = arith.subf %select_n3A_1510, %select_n3A_1506 : vector<160x128xf32>
    %add3A_1532 = arith.constant 1.000000e+00 : f32
    %add3A_1533 = vector.broadcast %add3A_1532 : f32 to vector<160x128xf32>
    %add3A_1534 = arith.addf %sub3A_1531, %add3A_1533 : vector<160x128xf32>
    %mul3A_1535 = arith.constant 5.000000e-01 : f32
    %mul3A_1536 = vector.broadcast %mul3A_1535 : f32 to vector<160x128xf32>
    %mul3A_1537 = arith.mulf %mul3A_1536, %add3A_1530 : vector<160x128xf32>
    %add3A_1538 = arith.addf %select_n3A_1504, %mul3A_1537 : vector<160x128xf32>
    %mul3A_1539 = arith.constant 5.000000e-01 : f32
    %mul3A_1540 = vector.broadcast %mul3A_1539 : f32 to vector<160x128xf32>
    %mul3A_1541 = arith.mulf %mul3A_1540, %add3A_1534 : vector<160x128xf32>
    %add3A_1542 = arith.addf %select_n3A_1506, %mul3A_1541 : vector<160x128xf32>
    %sub3A_1543 = arith.subf %add3A_1538, %add3A_1522 : vector<160x128xf32>
    %div3A_1544 = arith.divf %sub3A_1543, %add3A_20 : vector<160x128xf32>
    %div3A_1545 = arith.constant 1.000000e-01 : f32
    %div3A_1546 = vector.broadcast %div3A_1545 : f32 to vector<160x128xf32>
    %div3A_1547 = arith.divf %div3A_1544, %div3A_1546 : vector<160x128xf32>
    %sub3A_1548 = arith.subf %add3A_1542, %add3A_1526 : vector<160x128xf32>
    %div3A_1549 = arith.divf %sub3A_1548, %add3A_24 : vector<160x128xf32>
    %div3A_1550 = arith.constant 1.000000e-01 : f32
    %div3A_1551 = vector.broadcast %div3A_1550 : f32 to vector<160x128xf32>
    %div3A_1552 = arith.divf %div3A_1549, %div3A_1551 : vector<160x128xf32>
    %div3A_1553 = arith.divf %add3A_1530, %add3A_20 : vector<160x128xf32>
    %log3A = math.log %div3A_1553 : vector<160x128xf32>
    %div3A_1554 = arith.constant 2.000000e-01 : f32
    %div3A_1555 = vector.broadcast %div3A_1554 : f32 to vector<160x128xf32>
    %div3A_1556 = arith.divf %log3A, %div3A_1555 : vector<160x128xf32>
    %div3A_1557 = arith.divf %add3A_1534, %add3A_24 : vector<160x128xf32>
    %log3A_1558 = math.log %div3A_1557 : vector<160x128xf32>
    %div3A_1559 = arith.constant 2.000000e-01 : f32
    %div3A_1560 = vector.broadcast %div3A_1559 : f32 to vector<160x128xf32>
    %div3A_1561 = arith.divf %log3A_1558, %div3A_1560 : vector<160x128xf32>
    %gt3A_1562 = arith.constant 0.000000e+00 : f32
    %gt3A_1563 = vector.broadcast %gt3A_1562 : f32 to vector<160x128xf32>
    %gt3A_1564 = arith.cmpf ogt, %select_n3A_1518, %gt3A_1563 : vector<160x128xf32>
    %broadcast_in_dim3A_1565 = arith.constant 0.000000e+00 : f32
    %broadcast_in_dim3A_1566 = vector.broadcast %broadcast_in_dim3A_1565 : f32 to vector<160x128xf32>
    %swap3A = arith.constant 0 : index
    %swap3A_1567 = arith.constant 0 : index
    %swap3A_1568 = arith.constant 0 : index
    %swap3A_1569 = arith.constant 0 : index
    %swap3A_1570 = vector.load %arg6[%swap3A, %swap3A_1567, %swap3A_1568, %swap3A_1569] : memref<1x9x160x128xf32, #tpu.memory_space<vmem>>, vector<1x1x160x128xf32>
    %swap3A_1571 = vector.shape_cast %swap3A_1570 : vector<1x1x160x128xf32> to vector<160x128xf32>
    %swap3A_1572 = vector.shape_cast %get3A_3 : vector<160x128xf32> to vector<1x1x160x128xf32>
    tpu.vector_store %arg6[%swap3A, %swap3A_1567, %swap3A_1568, %swap3A_1569], %swap3A_1572 {strides = array<i32>} : memref<1x9x160x128xf32, #tpu.memory_space<vmem>>, vector<1x1x160x128xf32>,
    %swap3A_1573 = arith.constant 0 : index
    %swap3A_1574 = arith.constant 1 : index
    %swap3A_1575 = arith.constant 0 : index
    %swap3A_1576 = arith.constant 0 : index
    %swap3A_1577 = vector.load %arg6[%swap3A_1573, %swap3A_1574, %swap3A_1575, %swap3A_1576] : memref<1x9x160x128xf32, #tpu.memory_space<vmem>>, vector<1x1x160x128xf32>
    %swap3A_1578 = vector.shape_cast %swap3A_1577 : vector<1x1x160x128xf32> to vector<160x128xf32>
    %swap3A_1579 = vector.shape_cast %get3A_8 : vector<160x128xf32> to vector<1x1x160x128xf32>
    tpu.vector_store %arg6[%swap3A_1573, %swap3A_1574, %swap3A_1575, %swap3A_1576], %swap3A_1579 {strides = array<i32>} : memref<1x9x160x128xf32, #tpu.memory_space<vmem>>, vector<1x1x160x128xf32>,
    %swap3A_1580 = arith.constant 0 : index
    %swap3A_1581 = arith.constant 2 : index
    %swap3A_1582 = arith.constant 0 : index
    %swap3A_1583 = arith.constant 0 : index
    %swap3A_1584 = vector.load %arg6[%swap3A_1580, %swap3A_1581, %swap3A_1582, %swap3A_1583] : memref<1x9x160x128xf32, #tpu.memory_space<vmem>>, vector<1x1x160x128xf32>
    %swap3A_1585 = vector.shape_cast %swap3A_1584 : vector<1x1x160x128xf32> to vector<160x128xf32>
    %swap3A_1586 = vector.shape_cast %get3A_13 : vector<160x128xf32> to vector<1x1x160x128xf32>
    tpu.vector_store %arg6[%swap3A_1580, %swap3A_1581, %swap3A_1582, %swap3A_1583], %swap3A_1586 {strides = array<i32>} : memref<1x9x160x128xf32, #tpu.memory_space<vmem>>, vector<1x1x160x128xf32>,
    %swap3A_1587 = arith.constant 0 : index
    %swap3A_1588 = arith.constant 3 : index
    %swap3A_1589 = arith.constant 0 : index
    %swap3A_1590 = arith.constant 0 : index
    %swap3A_1591 = vector.load %arg6[%swap3A_1587, %swap3A_1588, %swap3A_1589, %swap3A_1590] : memref<1x9x160x128xf32, #tpu.memory_space<vmem>>, vector<1x1x160x128xf32>
    %swap3A_1592 = vector.shape_cast %swap3A_1591 : vector<1x1x160x128xf32> to vector<160x128xf32>
    %swap3A_1593 = vector.shape_cast %get3A_18 : vector<160x128xf32> to vector<1x1x160x128xf32>
    tpu.vector_store %arg6[%swap3A_1587, %swap3A_1588, %swap3A_1589, %swap3A_1590], %swap3A_1593 {strides = array<i32>} : memref<1x9x160x128xf32, #tpu.memory_space<vmem>>, vector<1x1x160x128xf32>,
    %swap3A_1594 = arith.constant 0 : index
    %swap3A_1595 = arith.constant 4 : index
    %swap3A_1596 = arith.constant 0 : index
    %swap3A_1597 = arith.constant 0 : index
    %swap3A_1598 = vector.load %arg6[%swap3A_1594, %swap3A_1595, %swap3A_1596, %swap3A_1597] : memref<1x9x160x128xf32, #tpu.memory_space<vmem>>, vector<1x1x160x128xf32>
    %swap3A_1599 = vector.shape_cast %swap3A_1598 : vector<1x1x160x128xf32> to vector<160x128xf32>
    %swap3A_1600 = vector.shape_cast %select_n3A_1518 : vector<160x128xf32> to vector<1x1x160x128xf32>
    tpu.vector_store %arg6[%swap3A_1594, %swap3A_1595, %swap3A_1596, %swap3A_1597], %swap3A_1600 {strides = array<i32>} : memref<1x9x160x128xf32, #tpu.memory_space<vmem>>, vector<1x1x160x128xf32>,
    %select_n3A_1601 = arith.select %gt3A_1564, %div3A_1547, %broadcast_in_dim3A_1566 : vector<160x128xi1>, vector<160x128xf32>
    %swap3A_1602 = arith.constant 0 : index
    %swap3A_1603 = arith.constant 5 : index
    %swap3A_1604 = arith.constant 0 : index
    %swap3A_1605 = arith.constant 0 : index
    %swap3A_1606 = vector.load %arg6[%swap3A_1602, %swap3A_1603, %swap3A_1604, %swap3A_1605] : memref<1x9x160x128xf32, #tpu.memory_space<vmem>>, vector<1x1x160x128xf32>
    %swap3A_1607 = vector.shape_cast %swap3A_1606 : vector<1x1x160x128xf32> to vector<160x128xf32>
    %swap3A_1608 = vector.shape_cast %select_n3A_1601 : vector<160x128xf32> to vector<1x1x160x128xf32>
    tpu.vector_store %arg6[%swap3A_1602, %swap3A_1603, %swap3A_1604, %swap3A_1605], %swap3A_1608 {strides = array<i32>} : memref<1x9x160x128xf32, #tpu.memory_space<vmem>>, vector<1x1x160x128xf32>,
    %select_n3A_1609 = arith.select %gt3A_1564, %div3A_1552, %broadcast_in_dim3A_1566 : vector<160x128xi1>, vector<160x128xf32>
    %swap3A_1610 = arith.constant 0 : index
    %swap3A_1611 = arith.constant 6 : index
    %swap3A_1612 = arith.constant 0 : index
    %swap3A_1613 = arith.constant 0 : index
    %swap3A_1614 = vector.load %arg6[%swap3A_1610, %swap3A_1611, %swap3A_1612, %swap3A_1613] : memref<1x9x160x128xf32, #tpu.memory_space<vmem>>, vector<1x1x160x128xf32>
    %swap3A_1615 = vector.shape_cast %swap3A_1614 : vector<1x1x160x128xf32> to vector<160x128xf32>
    %swap3A_1616 = vector.shape_cast %select_n3A_1609 : vector<160x128xf32> to vector<1x1x160x128xf32>
    tpu.vector_store %arg6[%swap3A_1610, %swap3A_1611, %swap3A_1612, %swap3A_1613], %swap3A_1616 {strides = array<i32>} : memref<1x9x160x128xf32, #tpu.memory_space<vmem>>, vector<1x1x160x128xf32>,
    %select_n3A_1617 = arith.select %gt3A_1564, %div3A_1556, %broadcast_in_dim3A_1566 : vector<160x128xi1>, vector<160x128xf32>
    %swap3A_1618 = arith.constant 0 : index
    %swap3A_1619 = arith.constant 7 : index
    %swap3A_1620 = arith.constant 0 : index
    %swap3A_1621 = arith.constant 0 : index
    %swap3A_1622 = vector.load %arg6[%swap3A_1618, %swap3A_1619, %swap3A_1620, %swap3A_1621] : memref<1x9x160x128xf32, #tpu.memory_space<vmem>>, vector<1x1x160x128xf32>
    %swap3A_1623 = vector.shape_cast %swap3A_1622 : vector<1x1x160x128xf32> to vector<160x128xf32>
    %swap3A_1624 = vector.shape_cast %select_n3A_1617 : vector<160x128xf32> to vector<1x1x160x128xf32>
    tpu.vector_store %arg6[%swap3A_1618, %swap3A_1619, %swap3A_1620, %swap3A_1621], %swap3A_1624 {strides = array<i32>} : memref<1x9x160x128xf32, #tpu.memory_space<vmem>>, vector<1x1x160x128xf32>,
    %select_n3A_1625 = arith.select %gt3A_1564, %div3A_1561, %broadcast_in_dim3A_1566 : vector<160x128xi1>, vector<160x128xf32>
    %swap3A_1626 = arith.constant 0 : index
    %swap3A_1627 = arith.constant 8 : index
    %swap3A_1628 = arith.constant 0 : index
    %swap3A_1629 = arith.constant 0 : index
    %swap3A_1630 = vector.load %arg6[%swap3A_1626, %swap3A_1627, %swap3A_1628, %swap3A_1629] : memref<1x9x160x128xf32, #tpu.memory_space<vmem>>, vector<1x1x160x128xf32>
    %swap3A_1631 = vector.shape_cast %swap3A_1630 : vector<1x1x160x128xf32> to vector<160x128xf32>
    %swap3A_1632 = vector.shape_cast %select_n3A_1625 : vector<160x128xf32> to vector<1x1x160x128xf32>
    tpu.vector_store %arg6[%swap3A_1626, %swap3A_1627, %swap3A_1628, %swap3A_1629], %swap3A_1632 {strides = array<i32>} : memref<1x9x160x128xf32, #tpu.memory_space<vmem>>, vector<1x1x160x128xf32>,
    %convert_element_type3A = arith.extui %ge3A_1515 : vector<160x128xi1> to vector<160x128xi32>
    %convert_element_type3A_1633 = arith.sitofp %convert_element_type3A : vector<160x128xi32> to vector<160x128xf32>
    %iota3A = tpu.iota {dimensions = array<i32: 0>} : vector<128x128xi32>
    %iota3A_1634 = tpu.iota {dimensions = array<i32: 1>} : vector<128x128xi32>
    %le3A = arith.cmpi sle, %iota3A, %iota3A_1634 : vector<128x128xi32>
    %convert_element_type3A_1635 = arith.extui %le3A : vector<128x128xi1> to vector<128x128xi32>
    %convert_element_type3A_1636 = arith.sitofp %convert_element_type3A_1635 : vector<128x128xi32> to vector<128x128xf32>
    %dot_general3A = arith.constant dense<0.000000e+00> : vector<160x128xf32>
    %dot_general3A_1637 = tpu.matmul %convert_element_type3A_1633, %convert_element_type3A_1636, %dot_general3A {dimension_numbers = #tpu.dot_dimension_numbers<[1], [0], [0], [1], [0, 0, 1, 1], [], []>, transpose_lhs_hint = false} : vector<160x128xf32>, vector<128x128xf32>, vector<160x128xf32> -> vector<160x128xf32>
    %slice3A = vector.extract_strided_slice %dot_general3A_1637 {offsets = [0, 127], sizes = [160, 1], strides = [1, 1]} : vector<160x128xf32> to vector<160x1xf32>
    %iota3A_1638 = tpu.iota {dimensions = array<i32: 0>} : vector<160x160xi32>
    %iota3A_1639 = tpu.iota {dimensions = array<i32: 1>} : vector<160x160xi32>
    %lt3A = arith.cmpi slt, %iota3A_1639, %iota3A_1638 : vector<160x160xi32>
    %convert_element_type3A_1640 = arith.extui %lt3A : vector<160x160xi1> to vector<160x160xi32>
    %convert_element_type3A_1641 = arith.sitofp %convert_element_type3A_1640 : vector<160x160xi32> to vector<160x160xf32>
    %dot_general3A_1642 = arith.constant dense<0.000000e+00> : vector<160x1xf32>
    %dot_general3A_1643 = tpu.matmul %convert_element_type3A_1641, %slice3A, %dot_general3A_1642 {dimension_numbers = #tpu.dot_dimension_numbers<[1], [0], [0], [1], [0, 0, 1, 1], [], []>, transpose_lhs_hint = false} : vector<160x160xf32>, vector<160x1xf32>, vector<160x1xf32> -> vector<160x1xf32>
    %add3A_1644 = vector.broadcast %dot_general3A_1643 : vector<160x1xf32> to vector<160x128xf32>
    %add3A_1645 = arith.addf %dot_general3A_1637, %add3A_1644 : vector<160x128xf32>
    %sub3A_1646 = arith.subf %add3A_1645, %convert_element_type3A_1633 : vector<160x128xf32>
    %reduce_sum3A = vector.shape_cast %convert_element_type3A_1633 : vector<160x128xf32> to vector<1x160x128xf32>
    %reduce_sum3A_1647 = arith.constant dense<0.000000e+00> : vector<1xf32>
    %reduce_sum3A_1648 = vector.multi_reduction <add>, %reduce_sum3A, %reduce_sum3A_1647 [1, 2] : vector<1x160x128xf32> to vector<1xf32>
    %reduce_sum3A_1649 = vector.shape_cast %reduce_sum3A_1648 : vector<1xf32> to vector<1x1x1xf32>
    %reduce_sum3A_1650 = vector.extract %reduce_sum3A_1649[0, 0, 0] : f32 from vector<1x1x1xf32>
    %iota3A_1651 = tpu.iota {dimensions = array<i32: 0>} : vector<160x128xi32>
    %mul3A_1652 = arith.constant 128 : i32
    %mul3A_1653 = vector.broadcast %mul3A_1652 : i32 to vector<160x128xi32>
    %mul3A_1654 = arith.muli %iota3A_1651, %mul3A_1653 : vector<160x128xi32>
    %iota3A_1655 = tpu.iota {dimensions = array<i32: 1>} : vector<160x128xi32>
    %add3A_1656 = arith.addi %mul3A_1654, %iota3A_1655 : vector<160x128xi32>
    %convert_element_type3A_1657 = arith.sitofp %add3A_1656 : vector<160x128xi32> to vector<160x128xf32>
    %add3A_1658 = vector.broadcast %reduce_sum3A_1650 : f32 to vector<160x128xf32>
    %add3A_1659 = arith.addf %add3A_1658, %convert_element_type3A_1657 : vector<160x128xf32>
    %sub3A_1660 = arith.subf %add3A_1659, %sub3A_1646 : vector<160x128xf32>
    %select_n3A_1661 = arith.select %ge3A_1515, %sub3A_1646, %sub3A_1660 : vector<160x128xi1>, vector<160x128xf32>
    %convert_element_type3A_1662 = arith.fptosi %select_n3A_1661 : vector<160x128xf32> to vector<160x128xi32>
    %swap3A_1663 = arith.constant 0 : index
    %swap3A_1664 = arith.constant 0 : index
    %swap3A_1665 = arith.constant 0 : index
    %swap3A_1666 = vector.load %arg7[%swap3A_1663, %swap3A_1664, %swap3A_1665] : memref<1x160x128xi32, #tpu.memory_space<vmem>>, vector<1x160x128xi32>
    %swap3A_1667 = vector.shape_cast %swap3A_1666 : vector<1x160x128xi32> to vector<160x128xi32>
    %swap3A_1668 = vector.shape_cast %convert_element_type3A_1662 : vector<160x128xi32> to vector<1x160x128xi32>
    tpu.vector_store %arg7[%swap3A_1663, %swap3A_1664, %swap3A_1665], %swap3A_1668 {strides = array<i32>} : memref<1x160x128xi32, #tpu.memory_space<vmem>>, vector<1x160x128xi32>,
    return
  }
  func.func @transform_0(%arg0: i32) -> (i32, i32, i32) {
    %c0_i32 = arith.constant 0 : i32
    %c0_i32_0 = arith.constant 0 : i32
    %c0_i32_1 = arith.constant 0 : i32
    return %arg0, %c0_i32, %c0_i32_0 : i32, i32, i32
  }
  func.func @transform_1(%arg0: i32) -> (i32, i32, i32) {
    %c0_i32 = arith.constant 0 : i32
    %c0_i32_0 = arith.constant 0 : i32
    %c0_i32_1 = arith.constant 0 : i32
    return %arg0, %c0_i32, %c0_i32_0 : i32, i32, i32
  }
  func.func @transform_2(%arg0: i32) -> (i32, i32, i32) {
    %c0_i32 = arith.constant 0 : i32
    %c0_i32_0 = arith.constant 0 : i32
    %c0_i32_1 = arith.constant 0 : i32
    return %arg0, %c0_i32, %c0_i32_0 : i32, i32, i32
  }
  func.func @transform_3(%arg0: i32) -> (i32, i32, i32) {
    %c0_i32 = arith.constant 0 : i32
    %c0_i32_0 = arith.constant 0 : i32
    %c0_i32_1 = arith.constant 0 : i32
    return %arg0, %c0_i32, %c0_i32_0 : i32, i32, i32
  }
  func.func @transform_4(%arg0: i32) -> (i32, i32, i32) {
    %c0_i32 = arith.constant 0 : i32
    %c0_i32_0 = arith.constant 0 : i32
    %c0_i32_1 = arith.constant 0 : i32
    return %arg0, %c0_i32, %c0_i32_0 : i32, i32, i32
  }
  func.func @transform_5(%arg0: i32) -> (i32, i32, i32, i32) {
    %c0_i32 = arith.constant 0 : i32
    %c0_i32_0 = arith.constant 0 : i32
    %c0_i32_1 = arith.constant 0 : i32
    %c0_i32_2 = arith.constant 0 : i32
    return %arg0, %c0_i32, %c0_i32_0, %c0_i32_1 : i32, i32, i32, i32
  }
  func.func @transform_6(%arg0: i32) -> (i32, i32, i32) {
    %c0_i32 = arith.constant 0 : i32
    %c0_i32_0 = arith.constant 0 : i32
    %c0_i32_1 = arith.constant 0 : i32
    return %arg0, %c0_i32, %c0_i32_0 : i32, i32, i32
  }
}

</mosaic_0001>

<sc_bundles>
// kernel: kernel.4.cloned.1.call-start
scs
__scs_entry_jumppad:
0x0: {  	(pc) =	sbr.rel $0x88, $3  }
0x1: {  	(tag) =	ssettag $0x0;
	lr =	simm.s32 $0x1  }
0x2: {  	[smem:$0x3F9F] =	sst lr;
	_ =	strace $0xD0000000  }
0x3: {  	_ = 	snop  }
0x4: {  	_ = 	snop  }
0x5: {  	_ = 	snop  }
0x6: {  	_ = 	snop  }
0x7: {  	_ = 	snop  }
__scs_overlays_trampoline_lowered:
0x8: {  	[smem:$0x3FAE] =	sst s0  }
0x9: {  	[smem:$0x3FAF] =	sst s1  }
0xa: {  	[smem:$0x3FB0] =	sst s2  }
0xb: {  	[smem:$0x3FB1] =	sst s3  }
0xc: {  	[smem:$0x3FB2] =	sst s4  }
0xd: {  	[smem:$0x3FB3] =	sst s5  }
0xe: {  	[smem:$0x3FB4] =	sst s6  }
0xf: {  	[smem:$0x3FB5] =	sst s7  }
0x10: {  	[smem:$0x3FB6] =	sst s8  }
0x11: {  	[smem:$0x3FB7] =	sst s9;
	s0 =	simm.s32 @!p0 $0x0  }
0x12: {  	s1 =	sld [smem:$0x3F9D];
	s0 =	simm.s32 @p0 $0x1  }
0x13: {  	[smem:$0x3FB8] =	sst s0;
	s0 =	simm.s32 @!p1 $0x0  }
0x14: {  	s2 =	sld [smem:$0x3F9C];
	s0 =	simm.s32 @p1 $0x1  }
0x15: {  	[smem:$0x3FB9] =	sst s0;
	s0 =	simm.s32 @!p2 $0x0  }
0x16: {  	s3 =	sld [smem:$0x3FDB];
	s0 =	simm.s32 @p2 $0x1  }
0x17: {  	s4 =	simm.s32 $0x1BF5;
	[smem:$0x3FBB] =	sst s0  }
0x18: {  	s0 =	sld [smem:$0x3F9E];
	_ =	swait.ge [sflag:s4], $0x0  }
0x19: {  	s7 =	sld [smem:$0x3F9F]  }
0x1a: {  	s8 =	sadd.s32 $0xFFFFE003, lr  }
0x1b: {  	s9 =	sadd.s32 $0xFFFFFEF7, lr;
	s5 =	simm.s32 $0xFFFFFFFF;
	p2 =	slt.u32 s8, $0xFFFFF086  }
0x1c: {  	p1 =	slt.u32 s9, $0xF7A;
	s5 =	simm.s32 @!p2 $0x0  }
0x1d: {  	s5 =	simm.s32 @p1 $0x1;
	p0 =	seq.s32 s7, s2  }
0x1e: {  	s7 =	smul.u32 @!p0 $0xF7A, s2;
	p2 =	seq.s32 @!p0 s5, $0x0  }
0x1f: {  	s9 =	smul.u32 $0xF7A, s1;
	s8 =	simm.s32 @!p0 $0x1BF5;
	p2 =	por !p2, p0  }
0x20: {  	[sflag:s8] =	ssyncset.s32 @!p0 $0xFFFFF086;
	s6 =	sadd.s32 @!p0 s3, s7;
	s7 =	simm.s32 @!p0 $0x108  }
0x21: {  	s3 =	sadd.s32 s3, s9;
	s6 =	sadd.s32 @!p0 $0x88, s6;
	s7 =	simm.s32 @p2 $0x1082  }
0x22: {  	[simem:s7], [sflag:s8] =	dma.local @!p0 [hbm:s6], $0xF7A  }
0x23: {  	s9 =	sor.u32 $0xD0000000, s2;
	s6 =	simm.s32 $0x108;
	_ =	swait.ge @!p0 [sflag:s8], $0x0  }
0x24: {  	s3 =	sadd.s32 $0x88, s3;
	s6 =	simm.s32 @!p1 $0x1082;
	[sflag:s4] =	ssyncset.s32 $0xFFFFF086  }
0x25: {  	[simem:s6], [sflag:s4] =	dma.local [hbm:s3], $0xF7A  }
0x26: {  	[smem:$0x3F9F] =	sst s1;
	(tag) =	ssettag s2;
	_ =	strace s9  }
0x27: {  	s1 =	sld [smem:$0x3FAF]  }
0x28: {  	s2 =	sld [smem:$0x3FB0]  }
0x29: {  	s4 =	sld [smem:$0x3FB2]  }
0x2a: {  	p0 =	seq.s32 s5, $0x0;
	s5 =	sld [smem:$0x3FB3]  }
0x2b: {  	s6 =	sld [smem:$0x3FB4]  }
0x2c: {  	s7 =	sld [smem:$0x3FB5]  }
0x2d: {  	s3 =	simm.s32 $0x108;
	s8 =	sld [smem:$0x3FB6]  }
0x2e: {  	s3 =	simm.s32 @!p0 $0x1082;
	s9 =	sld [smem:$0x3FB7]  }
0x2f: {  	lr =	sadd.s32 s0, s3;
	s0 =	sld [smem:$0x3FAE]  }
0x30: {  	s3 =	sld [smem:$0x3FB1]  }
0x31: {  	[smem:$0x3FBA] =	sst s10  }
0x32: {  	s10 =	sld [smem:$0x3FB8];
	_ =	sdelay $0x3  }
0x33: {  	p0 =	seq.s32 s10, $0x1;
	s10 =	sld [smem:$0x3FBA];
	_ =	sdelay $0x3  }
0x34: {  	[smem:$0x3FBA] =	sst s10  }
0x35: {  	s10 =	sld [smem:$0x3FB9];
	_ =	sdelay $0x3  }
0x36: {  	p1 =	seq.s32 s10, $0x1;
	s10 =	sld [smem:$0x3FBA];
	_ =	sdelay $0x3  }
0x37: {  	[smem:$0x3FBA] =	sst s10  }
0x38: {  	s10 =	sld [smem:$0x3FBB]  }
0x39: {  	_ = 	snop;
	(pc) =	sbr.ind lr, $3  }
0x3a: {  	_ = 	snop  }
0x3b: {  	_ = 	snop  }
0x3c: {  	p2 =	seq.s32 s10, $0x1;
	s10 =	sld [smem:$0x3FBA]  }
0x3d: {  	_ =	shalt  }
0x3e: {  	_ =	shalt  }
0x3f: {  	_ =	shalt  }
0x40: {  	_ =	shalt  }
0x41: {  	_ =	shalt  }
0x42: {  	_ =	shalt  }
0x43: {  	_ =	shalt  }
0x44: {  	_ =	shalt  }
0x45: {  	_ =	shalt  }
0x46: {  	_ =	shalt  }
0x47: {  	_ =	shalt  }
0x48: {  	_ =	shalt  }
0x49: {  	_ =	shalt  }
0x4a: {  	_ =	shalt  }
0x4b: {  	_ =	shalt  }
0x4c: {  	_ =	shalt  }
0x4d: {  	_ =	shalt  }
0x4e: {  	_ =	shalt  }
0x4f: {  	_ =	shalt  }
0x50: {  	_ =	shalt  }
0x51: {  	_ =	shalt  }
0x52: {  	_ =	shalt  }
0x53: {  	_ =	shalt  }
0x54: {  	_ =	shalt  }
0x55: {  	_ =	shalt  }
0x56: {  	_ =	shalt  }
0x57: {  	_ =	shalt  }
0x58: {  	_ =	shalt  }
0x59: {  	_ =	shalt  }
0x5a: {  	_ =	shalt  }
0x5b: {  	_ =	shalt  }
0x5c: {  	_ =	shalt  }
0x5d: {  	_ =	shalt  }
0x5e: {  	_ =	shalt  }
0x5f: {  	_ =	shalt  }
0x60: {  	_ =	shalt  }
0x61: {  	_ =	shalt  }
0x62: {  	_ =	shalt  }
0x63: {  	_ =	shalt  }
0x64: {  	_ =	shalt  }
0x65: {  	_ =	shalt  }
0x66: {  	_ =	shalt  }
0x67: {  	_ =	shalt  }
0x68: {  	_ =	shalt  }
0x69: {  	_ =	shalt  }
0x6a: {  	_ =	shalt  }
0x6b: {  	_ =	shalt  }
0x6c: {  	_ =	shalt  }
0x6d: {  	_ =	shalt  }
0x6e: {  	_ =	shalt  }
0x6f: {  	_ =	shalt  }
0x70: {  	_ =	shalt  }
0x71: {  	_ =	shalt  }
0x72: {  	_ =	shalt  }
0x73: {  	_ =	shalt  }
0x74: {  	_ =	shalt  }
0x75: {  	_ =	shalt  }
0x76: {  	_ =	shalt  }
0x77: {  	_ =	shalt  }
0x78: {  	_ =	shalt  }
0x79: {  	_ =	shalt  }
0x7a: {  	_ =	shalt  }
0x7b: {  	_ =	shalt  }
0x7c: {  	_ =	shalt  }
0x7d: {  	_ =	shalt  }
0x7e: {  	_ =	shalt  }
0x7f: {  	_ =	shalt  }
0x80: {  	_ =	shalt  }
0x81: {  	_ =	shalt  }
0x82: {  	_ =	shalt  }
0x83: {  	_ =	shalt  }
0x84: {  	_ =	shalt  }
0x85: {  	_ =	shalt  }
0x86: {  	_ =	shalt  }
0x87: {  	_ =	shalt  }
.Lfunc_end0:
.L_simem_size_0:
called_computation_lowered:
.L_overlay_start_0:
0x88: {  	s2 =	sld [smem:$0x3FD9]  }
0x89: {  	s3 =	sld [smem:$0x3FFE];
	_ =	sdelay $0x1  }
0x8a: {  	s1 =	srdreg.scid  }
0x8b: {  	s0 =	sand.u32 $0x1, s1  }
0x8c: {  	s14 =	sshll.u32 s0, $0xA;
	s2 =	sadd.s32 s3, s2  }
0x8d: {  	s2 =	sadd.s32 s2, s14  }
0x8e: {  	[smem:$0x3FC6] =	sst s2  }
0x8f: {  	_ = 	snop  }
0x90: {  	s2 =	sld [smem:$0x3FD0];
	_ =	sdelay $0x2  }
0x91: {  	s15 =	simm.s32 $0xA;
	s4 =	simm.s32 $0x10  }
0x92: {  	[smem:s4], [sflag:s15] =	dma.local [hbm:s2], $0x1  }
0x93: {  	_ =	swait.eq [sflag:s15], $0x1  }
0x94: {  	[sflag:s15] =	ssyncset.done $0x0  }
0x95: {  	[sflag:s15] =	ssyncadd.s32 $0xFFFFFFFF  }
0x96: {  	s16 =	sld [smem:$0x14];
	(tm) =	ssettm $0x1  }
0x97: {  	s17 =	sld [smem:$0x3FFB];
	_ =	sdelay $0x3  }
0x98: {  	_ =	strace s17  }
0x99: {  	s3 =	sld [smem:$0x3FFC];
	_ =	sdelay $0x3  }
0x9a: {  	_ =	strace s3  }
0x9b: {  	s3 =	sld [smem:$0x3FFD];
	_ =	sdelay $0x3  }
0x9c: {  	_ =	strace s3  }
0x9d: {  	_ =	strace $0x8FFFFFFF  }
0x9e: {  	s18 =	sld [smem:$0x3FDB];
	_ =	sdelay $0x1  }
0x9f: {  	s19 =	simm.s32 $_scs_section_size  }
0xa0: {  	s5 =	simm.s32 $_size__tile_overlayer_lowered;
	s6 =	simm.s32 $_tile_overlayer_lowered  }
0xa1: {  	s22 =	simm.s32 $0x1BFF;
	s21 =	sshll.u32 s6, $0x1;
	s3 =	sadd.s32 s19, s18  }
0xa2: {  	s7 =	simm.s32 $0x0;
	s20 =	sshll.u32 s5, $0x1;
	s5 =	sadd.s32 s21, s3  }
0xa3: {  	[timem:s7], [sflag:s22] =	dma.local [hbm:s5], s20  }
0xa4: {  	_ =	swait.ge [sflag:s22], s20  }
0xa5: {  	s4 =	ssub.s32 $0x0, s20;
	[sflag:s22] =	ssyncset.done $0x0  }
0xa6: {  	[sflag:s22] =	ssyncadd.s32 s4;
	_ =	sdelay $0x1  }
0xa7: {  	s23 =	simm.s32 $0x1B8B  }
0xa8: {  	_ =	swait.ge [sflag:s23], $0x1  }
0xa9: {  	[sflag:s23] =	ssyncset.done $0x0  }
0xaa: {  	s25 =	simm.s32 $0x1B8E;
	s24 =	sld [smem:$0x3FFE];
	[sflag:s23] =	ssyncadd.s32 $0xFFFFFFFF  }
0xab: {  	s26 =	simm.s32 $execute0_lowered;
	[smem:$0x3FD2] =	sst s25  }
0xac: {  	s5 =	sshll.u32 s26, $0x1;
	_ =	strace $0x80000046;
	[dreg:$0x1] =	wrdreg $0xFFFFFFFF  }
0xad: {  	s28 =	simm.s32 $_size_execute0_lowered;
	s3 =	sadd.s32 s3, s5;
	[dreg:$0x0] =	wrdreg $0x0  }
0xae: {  	s5 =	sshll.u32 s28, $0x1;
	[dreg:$0x2] =	wrdreg s3  }
0xaf: {  	[dreg:$0x3] =	wrdreg s5  }
0xb0: {  	[dreg:$0x4] =	wrdreg $0xC0  }
0xb1: {  	_ =	task [dreg:s7], $0x5FFFF  }
0xb2: {  	[dreg:$0x1] =	wrdreg $0xFFFFFFFF  }
0xb3: {  	[dreg:$0x0] =	wrdreg $0x60  }
0xb4: {  	[dreg:$0x2] =	wrdreg s24  }
0xb5: {  	[dreg:$0x3] =	wrdreg s16  }
0xb6: {  	[dreg:$0x4] =	wrdreg $0x9  }
0xb7: {  	_ =	task.clear_ibuf [dreg:s7], $0x5FFFF;
	_ =	strace $0x90000046  }
0xb8: {  	s29 =	simm.s32 $0x9;
	_ =	strace $0x80000048  }
0xb9: {  	_ =	swait.ge [sflag:s29], $0x1  }
0xba: {  	[sflag:s29] =	ssyncadd.s32 $0xFFFFFFFF  }
0xbb: {  	_ =	strace $0x90000048  }
0xbc: {  	_ =	sfence  }
0xbd: {  	s30 =	sld [smem:$0x0];
	_ =	sdelay $0x2  }
0xbe: {  	s31 =	sshll.u32 s1, $0xD;
	s1 =	sshrl.u32 s1, $0x2  }
0xbf: {  	s3 =	sand.u32 $0x4000, s31;
	s1 =	sadd.s32 s1, s30  }
0xc0: {  	s0 =	sor.u32 s3, s0;
	s1 =	sshll.u32 s1, $0x11  }
0xc1: {  	s0 =	sor.u32 s1, s0  }
0xc2: {  	s0 =	sadd.s32 $0x8F2B, s0  }
0xc3: {  	[sflag:s0] =	ssyncadd.remote.s32 $0x1  }
0xc4: {  	_ =	sfence.sel $0xFFFF  }
0xc5: {  	[dreg:$0x0] =	wrdreg $0xFFFFFFFF;
	(pc) =	sbr.abs _section_cstart, $3  }
0xc6: {  	[dreg:$0x1] =	wrdreg $0xFFFFFFFF  }
0xc7: {  	_ =	task.clear_ibuf [dreg:s7], $0x2FFFF;
	_ =	strace $0x9FFFFFFF  }
0xc8: {  	(tm) =	ssettm $0x7FFFFFFF  }
0xc9: {  	_ =	shalt  }
tec
execute0_lowered:
.L_overlay_start_1:
0x0: {  	(tag) =	ssettag $0x1  }
0x1: {  	s3 =	rddreg [dreg:$0x0]  }
0x2: {  	s4 =	rddreg [dreg:$0x1]  }
0x3: {  	s0 =	rddreg [dreg:$0x2];
	s1 =	stileid.u32;
	s2 =	simm.s32 $0x0  }
0x4: {  	s5 =	srdreg.scid;
	s14 =	simm.s32 $0x14000;
	s15 =	simm.s32 $0x4  }
0x5: {  	s16 =	simm.s32 $0x0;
	s6 =	sshll.u32 s1, $0x1;
	s5 =	sand.u32 $0x1, s5  }
0x6: {  	s7 =	sshrl.u32 s1, $0x2;
	[smem:$0x7FF] =	sst s2;
	s10 =	sadd.s32 $0x1600, s3  }
0x7: {  	s11 =	sadd.s32 $0x17E00, s3;
	s6 =	sand.u32 $0x6, s6;
	s30 =	smul.u32 $0x2D000, s7  }
0x8: {  	s7 =	smul.u32 $0xA00, s7;
	s9 =	sor.u32 s5, s6;
	s5 =	ssub.s32 $0x2, s5  }
0x9: {  	_ =	strace $0x80000047;
	s8 =	smul.u32 $0x5000, s9;
	s31 =	sshrl.u32 s5, $0x1  }
0xa: {  	s6 =	sshrl.u32 s30, $0x3;
	s3 =	sadd.s32 s4, s7;
	p0 =	sne.s32 s9, $0x0  }
.Ltmp0:
0xb: {  	s9 =	simm.s32 $0x5000;
	s13 =	sadd.s32 $0x5000, s6;
	(pc) =	sbr.rel .LBB2_1-.Ltmp0, $4  }
0xc: {  	s12 =	ssub.s32 s5, s31;
	s8 =	sadd.s32 s30, s8;
	s5 =	sadd.s32 s10, s13  }
0xd: {  	s7 =	sadd.s32 s11, s13;
	s13 =	simm.s32 $0x2;
	s8 =	sshrl.u32 s8, $0x3  }
0xe: {  	s4 =	sadd.s32 s10, s8;
	s6 =	sadd.s32 s11, s8;
	s8 =	smax.u32 s12, $0x1  }
0xf: {  	s10 =	simm.s32 $0x3;
	s11 =	simm.s32 $0x1;
	s12 =	simm.s32 $0xF000  }
.LBB2_7:
0x10: {  	s16 =	sadd.s32 $0x1, s16  }
0x11: {  	p1 =	sne.s32 s16, s8  }
.Ltmp1:
0x12: {  	_ = 	snop;
	(pc) =	sbr.rel @!p1 .LBB2_8-.Ltmp1, $4  }
0x13: {  	_ = 	snop  }
0x14: {  	_ =	swait.ge [sflag:s11], $0x5000  }
0x15: {  	[sflag:s11] =	ssyncset.done $0x0  }
0x16: {  	[sflag:s11] =	ssyncadd.s32 $0xFFFFB000  }
.LBB2_1:
0x17: {  	[tilespmem:s2], [sflag:$0x3] =	stream.linear.gather [hbm4b:s3+s2], $0x5000, $0x38;
	[tilespmem:$0x19000] =	vst v63  }
0x18: {  	_ = 	snop  }
0x19: {  	[tilespmem:s9], [sflag:$0x1] =	stream.linear.gather [hbm4b:s4+s2], $0x5000, $0x38;
	[tilespmem:$0x19000] =	vst v63  }
0x1a: {  	s17 =	simm.s32 @!p0 $0x0;
	s18 =	simm.s32 @!p0 $0xA000  }
0x1b: {  	[tilespmem:s18], [sflag:$0x2] =	stream.linear.gather @!p0 [hbm4b:s5+s17], $0x5000, $0x38;
	[tilespmem:$0x19000] =	vst v63  }
0x1c: {  	_ =	swait.ge [sflag:s10], $0x5000  }
0x1d: {  	[sflag:s10] =	ssyncset.done $0x0  }
0x1e: {  	[sflag:s10] =	ssyncadd.s32 $0xFFFFB000  }
0x1f: {  	_ =	swait.ge [sflag:s11], $0x5000  }
0x20: {  	[sflag:s11] =	ssyncset.done $0x0  }
0x21: {  	s17 =	simm.s32 $0x0;
	[sflag:s11] =	ssyncadd.s32 $0xFFFFB000  }
.LBB2_2:
0x22: {  	s18 =	sshra.s32 s17, $0x2  }
0x23: {  	v0 =	vld [tilespmem:s18+$0x0];
	_ =	sdelay $0x2  }
0x24: {  	v1 =	vld [tilespmem:s18+$0x5000];
	_ =	sdelay $0x4  }
0x25: {  	[tilespmem:v0+s12+$0x0] =	vst.idx.msk $0xffff, v1  }
0x26: {  	v0 =	vld [tilespmem:s18+$0x10];
	_ =	sdelay $0x2  }
0x27: {  	v1 =	vld [tilespmem:s18+$0x5010];
	_ =	sdelay $0x4  }
0x28: {  	[tilespmem:v0+s12+$0x0] =	vst.idx.msk $0xffff, v1  }
0x29: {  	v0 =	vld [tilespmem:s18+$0x20];
	_ =	sdelay $0x2  }
0x2a: {  	v1 =	vld [tilespmem:s18+$0x5020];
	_ =	sdelay $0x4  }
0x2b: {  	[tilespmem:v0+s12+$0x0] =	vst.idx.msk $0xffff, v1  }
0x2c: {  	v0 =	vld [tilespmem:s18+$0x30];
	_ =	sdelay $0x2  }
0x2d: {  	v1 =	vld [tilespmem:s18+$0x5030];
	_ =	sdelay $0x4  }
0x2e: {  	[tilespmem:v0+s12+$0x0] =	vst.idx.msk $0xffff, v1  }
0x2f: {  	v0 =	vld [tilespmem:s18+$0x40];
	_ =	sdelay $0x2  }
0x30: {  	v1 =	vld [tilespmem:s18+$0x5040];
	_ =	sdelay $0x4  }
0x31: {  	[tilespmem:v0+s12+$0x0] =	vst.idx.msk $0xffff, v1  }
0x32: {  	v0 =	vld [tilespmem:s18+$0x50];
	_ =	sdelay $0x2  }
0x33: {  	v1 =	vld [tilespmem:s18+$0x5050];
	_ =	sdelay $0x4  }
0x34: {  	[tilespmem:v0+s12+$0x0] =	vst.idx.msk $0xffff, v1  }
0x35: {  	v0 =	vld [tilespmem:s18+$0x60];
	_ =	sdelay $0x2  }
0x36: {  	v1 =	vld [tilespmem:s18+$0x5060];
	_ =	sdelay $0x4  }
0x37: {  	[tilespmem:v0+s12+$0x0] =	vst.idx.msk $0xffff, v1  }
0x38: {  	v0 =	vld [tilespmem:s18+$0x70];
	_ =	sdelay $0x2  }
0x39: {  	p1 =	sne.s32 s17, $0x13E00;
	v1 =	vld [tilespmem:s18+$0x5070]  }
.Ltmp2:
0x3a: {  	_ = 	snop;
	(pc) =	sbr.rel @p1 .LBB2_2-.Ltmp2, $2  }
0x3b: {  	_ =	sdelay $0x2  }
0x3c: {  	s17 =	sadd.s32 $0x200, s17;
	[tilespmem:v0+s12+$0x0] =	vst.idx.msk $0xffff, v1  }
.Ltmp3:
0x3d: {  	(pc) =	sbr.rel @p0 .LBB2_7-.Ltmp3, $2  }
0x3e: {  	_ =	sdelay $0x2  }
0x3f: {  	[hbm4b:s6+s2] =	stream.linear.scatter [tilespmem:s12], [sflag:$0x1], $0x5000, $0x38;
	[tilespmem:$0x19000] =	vst v63  }
0x40: {  	_ =	swait.ge [sflag:s13], $0x5000  }
0x41: {  	[sflag:s13] =	ssyncset.done $0x0  }
0x42: {  	s17 =	simm.s32 $0x0;
	[sflag:s13] =	ssyncadd.s32 $0xFFFFB000  }
.LBB2_5:
0x43: {  	s18 =	sshra.s32 s17, $0x2  }
0x44: {  	v0 =	vld [tilespmem:s18+$0x0];
	_ =	sdelay $0x2  }
0x45: {  	v1 =	vld [tilespmem:s18+$0xA000];
	_ =	sdelay $0x4  }
0x46: {  	[tilespmem:v0+s14+$0x0] =	vst.idx.msk $0xffff, v1  }
0x47: {  	v0 =	vld [tilespmem:s18+$0x10];
	_ =	sdelay $0x2  }
0x48: {  	v1 =	vld [tilespmem:s18+$0xA010];
	_ =	sdelay $0x4  }
0x49: {  	[tilespmem:v0+s14+$0x0] =	vst.idx.msk $0xffff, v1  }
0x4a: {  	v0 =	vld [tilespmem:s18+$0x20];
	_ =	sdelay $0x2  }
0x4b: {  	v1 =	vld [tilespmem:s18+$0xA020];
	_ =	sdelay $0x4  }
0x4c: {  	[tilespmem:v0+s14+$0x0] =	vst.idx.msk $0xffff, v1  }
0x4d: {  	v0 =	vld [tilespmem:s18+$0x30];
	_ =	sdelay $0x2  }
0x4e: {  	v1 =	vld [tilespmem:s18+$0xA030];
	_ =	sdelay $0x4  }
0x4f: {  	[tilespmem:v0+s14+$0x0] =	vst.idx.msk $0xffff, v1  }
0x50: {  	v0 =	vld [tilespmem:s18+$0x40];
	_ =	sdelay $0x2  }
0x51: {  	v1 =	vld [tilespmem:s18+$0xA040];
	_ =	sdelay $0x4  }
0x52: {  	[tilespmem:v0+s14+$0x0] =	vst.idx.msk $0xffff, v1  }
0x53: {  	v0 =	vld [tilespmem:s18+$0x50];
	_ =	sdelay $0x2  }
0x54: {  	v1 =	vld [tilespmem:s18+$0xA050];
	_ =	sdelay $0x4  }
0x55: {  	[tilespmem:v0+s14+$0x0] =	vst.idx.msk $0xffff, v1  }
0x56: {  	v0 =	vld [tilespmem:s18+$0x60];
	_ =	sdelay $0x2  }
0x57: {  	v1 =	vld [tilespmem:s18+$0xA060];
	_ =	sdelay $0x4  }
0x58: {  	[tilespmem:v0+s14+$0x0] =	vst.idx.msk $0xffff, v1  }
0x59: {  	v0 =	vld [tilespmem:s18+$0x70];
	_ =	sdelay $0x2  }
0x5a: {  	p1 =	sne.s32 s17, $0x13E00;
	v1 =	vld [tilespmem:s18+$0xA070]  }
.Ltmp4:
0x5b: {  	_ = 	snop;
	(pc) =	sbr.rel @p1 .LBB2_5-.Ltmp4, $2  }
0x5c: {  	_ =	sdelay $0x2  }
0x5d: {  	s17 =	sadd.s32 $0x200, s17;
	[tilespmem:v0+s14+$0x0] =	vst.idx.msk $0xffff, v1  }
.Ltmp5:
0x5e: {  	(pc) =	sbr.rel .LBB2_7-.Ltmp5, $4  }
0x5f: {  	[hbm4b:s7+s2] =	stream.linear.scatter [tilespmem:s14], [sflag:$0x4], $0x5000, $0x38;
	[tilespmem:$0x19000] =	vst v63  }
0x60: {  	_ =	swait.ge [sflag:s15], $0x5000  }
0x61: {  	[sflag:s15] =	ssyncset.done $0x0  }
0x62: {  	[sflag:s15] =	ssyncadd.s32 $0xFFFFB000  }
.LBB2_8:
0x63: {  	_ =	sfence.sel $0x180000  }
0x64: {  	[bflag:$0x0] =	sbarrier.arrive $0xFFFF  }
0x65: {  	p0 =	sne.s32 s1, $0x0;
	_ =	strace $0x90000047  }
0x66: {  	s0 =	sadd.s32 @!p0 $0x100000, s0;
	[bflag:$0x2] =	sbarrier.arrive $0xFFFF  }
0x67: {  	[sflag:s0] =	ssyncadd.tile.s32 @!p0 $0x1;
	_ =	shalt  }
.Lfunc_end2:
_tile_overlayer_lowered:
.L_overlay_start_2:
0x68: {  	(tag) =	ssettag $0x2  }
0x69: {  	s0 =	rddreg [dreg:$0x0];
	s2 =	stileid.u32  }
0x6a: {  	s1 =	rddreg [dreg:$0x1];
	p0 =	sne.s32 s2, $0x0  }
0x6b: {  	s3 =	rddreg [dreg:$0x2];
	[bflag:$0x3] =	sbarrier.arrive $0xFFFF;
	s2 =	simm.s32 @!p0 $0x1C04  }
0x6c: {  	[timem:s3], [sflag:s2] =	dma.local @!p0 [hbm:s0], s1  }
0x6d: {  	s0 =	simm.s32 @!p0 $0x4  }
0x6e: {  	_ =	swait.ge @!p0 [sflag:s0], s1  }
0x6f: {  	s1 =	ssub.s32 @!p0 $0x0, s1;
	[sflag:s0] =	ssyncset.done @!p0 $0x0  }
0x70: {  	[sflag:s0] =	ssyncadd.s32 @!p0 s1  }
0x71: {  	[bflag:$0x3] =	sbarrier.arrive $0xFFFF  }
0x72: {  	_ =	shalt  }

</sc_bundles>
